<compile_context>
chip_gen: v7x
topology: tpu7x:2x2x1
jax: 0.10.2.dev20260603
libtpu: 0.0.44.dev20260713+nightly
codegen_flags: <defaults>
</compile_context>

<pallas_src>
import jax
import jax.numpy as jnp
from jax import lax
from jax.experimental import pallas as pl
from jax.experimental.pallas import tpu as pltpu
from jax.experimental.pallas import tpu_sc as plsc

B, L, T = 64, 1632, 408
H, D, K = 64, 512, 1024
BT = B * T
TOK = 768
NTILE = BT // TOK
NB = 4
ND = B // NB
TOKC = NB * T
NC, NS = 2, 16
NW = NC * NS
BPW = BT // NW
CH = 48
NCHUNK = BPW // CH
NBUF = 4

_HI = lax.Precision.HIGHEST
_BF = jnp.bfloat16


def _dot(a, b, precision=_HI):
    return jnp.dot(a, b, preferred_element_type=jnp.float32, precision=precision)


def _bdot(a, b):
    return jnp.dot(a.astype(_BF), b.astype(_BF),
                   preferred_element_type=jnp.float32)


def _encode(img_blk, w14, b14, w2c, b2, w3, b3):
    h1 = jnp.maximum(_bdot(img_blk, w14) + b14, 0.0)
    h2 = jnp.maximum(_bdot(h1, w2c) + b2, 0.0)
    return _bdot(h2, w3) + b3


def _enc_vq_body(img_ref, w14_ref, b14_ref, w2_ref, b2_ref, w3_ref, b3_ref,
                 cbt_ref, idx_ref, cbt_bf, c2_ref):
    @pl.when(pl.program_id(0) == 0)
    def _init():
        cbt = cbt_ref[...]
        cbt_bf[...] = (-2.0 * cbt).astype(_BF)
        c2_ref[...] = jnp.sum(cbt * cbt, axis=0, keepdims=True)

    x = _encode(img_ref[...], w14_ref[...], b14_ref[...], w2_ref[...],
                b2_ref[...], w3_ref[...], b3_ref[...])
    e = jnp.dot(x.astype(_BF), cbt_bf[...],
                preferred_element_type=jnp.float32)
    dist = e + c2_ref[...]
    iota = lax.broadcasted_iota(jnp.int32, dist.shape, 1)
    packed = (lax.bitcast_convert_type(dist, jnp.int32) & ~(K - 1)) | iota
    idx_ref[...] = (jnp.min(packed, axis=1) & (K - 1))[None, None]


def _vq_indices(imgr, w14, b14, w2c, b2, w3, b3, cbt):
    rep = lambda i: (0, 0)
    return pl.pallas_call(
        _enc_vq_body,
        grid=(NTILE,),
        in_specs=[
            pl.BlockSpec((TOK, 4), lambda i: (i, 0)),
            pl.BlockSpec((4, 128), rep),
            pl.BlockSpec((1, 128), rep),
            pl.BlockSpec((128, H), rep),
            pl.BlockSpec((1, H), rep),
            pl.BlockSpec((H, D), rep),
            pl.BlockSpec((1, D), rep),
            pl.BlockSpec((D, K), rep),
        ],
        out_specs=pl.BlockSpec((1, 1, TOK), lambda i: (i, 0, 0)),
        out_shape=jax.ShapeDtypeStruct((NTILE, 1, TOK), jnp.int32),
        scratch_shapes=[
            pltpu.VMEM((D, K), _BF),
            pltpu.VMEM((1, K), jnp.float32),
        ],
    )(imgr, w14, b14, w2c, b2, w3, b3, cbt)


def _sc_gather_body(cb_hbm, idx_hbm, out_hbm, idx_v, bufs, gsems, wsems):
    wid = lax.axis_index("s") * NC + lax.axis_index("c")
    base = wid * BPW
    pltpu.sync_copy(idx_hbm.at[wid], idx_v)

    def issue(j):
        return pltpu.async_copy(cb_hbm.at[idx_v.at[j]], bufs[j % NBUF],
                                gsems[j % NBUF])

    pre = NBUF - 1
    g = {j: issue(j) for j in range(min(pre, NCHUNK))}
    w = {}
    for j in range(NCHUNK):
        if j + pre < NCHUNK:
            pj = j + pre - NBUF
            if pj >= 0:
                w[pj].wait()
            g[j + pre] = issue(j + pre)
        g[j].wait()
        w[j] = pltpu.async_copy(bufs[j % NBUF],
                                out_hbm.at[pl.ds(base + j * CH, CH)],
                                wsems[j % NBUF])
    for j in range(max(0, NCHUNK - NBUF), NCHUNK):
        w[j].wait()


def _sc_gather(codebook, idx3):
    def body(cb_hbm, idx_hbm, out_hbm, idx_v, b0, b1, b2, b3, g0, g1, g2, g3,
             s0, s1, s2, s3):
        _sc_gather_body(cb_hbm, idx_hbm, out_hbm, idx_v,
                        (b0, b1, b2, b3), (g0, g1, g2, g3), (s0, s1, s2, s3))

    return pl.kernel(
        body,
        mesh=plsc.VectorSubcoreMesh(core_axis_name="c", subcore_axis_name="s",
                                    num_cores=NC, num_subcores=NS),
        out_type=jax.ShapeDtypeStruct((BT, D), jnp.float32),
        compiler_params=pltpu.CompilerParams(use_tc_tiling_on_sc=False),
        scratch_types=(
            [pltpu.VMEM((NCHUNK, CH), jnp.int32)]
            + [pltpu.VMEM((CH, D), jnp.float32)] * NBUF
            + [pltpu.SemaphoreType.DMA] * NBUF
            + [pltpu.SemaphoreType.DMA] * NBUF
        ),
    )(codebook, idx3)


def _dec_body(img_ref, q_ref, w14_ref, b14_ref, w2_ref, b2_ref, w3_ref, b3_ref,
              wd1_ref, bd1_ref, w2big_ref, bd2_ref, wsel_ref, bd3_ref,
              out_ref, quant_ref, recon_ref, commit_ref):
    b = pl.program_id(0)
    img_blk = img_ref[...].reshape(TOKC, 4)
    qb = q_ref[...]
    x = _encode(img_blk, w14_ref[...], b14_ref[...], w2_ref[...],
                b2_ref[...], w3_ref[...], b3_ref[...])
    a01 = jnp.maximum(_bdot(qb, wd1_ref[...]) + bd1_ref[...], 0.0)
    f = jnp.maximum(_bdot(a01, w2big_ref[...]) + bd2_ref[...], 0.0)
    out_blk = _dot(f, wsel_ref[...]) + bd3_ref[0, 0]
    out_ref[...] = out_blk.reshape(NB, T, 4)
    qb3 = qb.reshape(NB, T, D)
    for r in range(NB):
        quant_ref[r] = jnp.transpose(qb3[r])

    s_r = jnp.sum((img_blk - out_blk) ** 2)
    s_c = jnp.sum((qb - x) ** 2)
    pr = jnp.where(b == 0, 0.0, recon_ref[0, 0])
    pc = jnp.where(b == 0, 0.0, commit_ref[0, 0])
    last = b == ND - 1
    recon_ref[0, 0] = jnp.where(last, (pr + s_r) / (B * L), pr + s_r)
    commit_ref[0, 0] = jnp.where(last, (pc + s_c) / (BT * D), pc + s_c)


def _decode(imgr4, q, w14, b14, w2c, b2, w3, b3, wd1c, bd1c, w2big, bd2big,
            wsel4, bd3):
    rep = lambda b: (0, 0)
    return pl.pallas_call(
        _dec_body,
        grid=(ND,),
        in_specs=[
            pl.BlockSpec((NB, T, 4), lambda b: (b, 0, 0)),
            pl.BlockSpec((TOKC, D), lambda b: (b, 0)),
            pl.BlockSpec((4, 128), rep),
            pl.BlockSpec((1, 128), rep),
            pl.BlockSpec((128, H), rep),
            pl.BlockSpec((1, H), rep),
            pl.BlockSpec((H, D), rep),
            pl.BlockSpec((1, D), rep),
            pl.BlockSpec((D, 128), rep),
            pl.BlockSpec((1, 128), rep),
            pl.BlockSpec((128, 256), rep),
            pl.BlockSpec((1, 256), rep),
            pl.BlockSpec((256, 4), rep),
            pl.BlockSpec((1, 1), rep),
        ],
        out_specs=[
            pl.BlockSpec((NB, T, 4), lambda b: (b, 0, 0)),
            pl.BlockSpec((NB, D, T), lambda b: (b, 0, 0)),
            pl.BlockSpec(memory_space=pltpu.SMEM),
            pl.BlockSpec(memory_space=pltpu.SMEM),
        ],
        out_shape=[
            jax.ShapeDtypeStruct((B, T, 4), jnp.float32),
            jax.ShapeDtypeStruct((B, D, T), jnp.float32),
            jax.ShapeDtypeStruct((1, 1), jnp.float32),
            jax.ShapeDtypeStruct((1, 1), jnp.float32),
        ],
    )(imgr4, q, w14, b14, w2c, b2, w3, b3, wd1c, bd1c, w2big, bd2big, wsel4,
      bd3)


def kernel(img, enc_w1, enc_b1, enc_w2, enc_b2, enc_w3, enc_b3, codebook,
           dec_w1, dec_b1, dec_w2, dec_b2, dec_w3, dec_b3):
    f32 = jnp.float32
    imgr = img.reshape(BT, 4)
    imgr4 = img.reshape(B, T, 4)

    w1 = enc_w1[:, 0, :]
    w14 = jnp.zeros((4, 128), f32).at[0:2, 0:H].set(w1.T).at[2:4, H:].set(w1.T)
    b14 = jnp.concatenate([enc_b1, enc_b1])[None]
    w2c = jnp.concatenate([enc_w2[:, :, 0].T, enc_w2[:, :, 1].T], axis=0)
    b2 = enc_b2[None]
    w3 = enc_w3[:, :, 0].T
    b3 = enc_b3[None]
    cbt = codebook.T

    wd1c = jnp.concatenate([dec_w1[:, :, 1], dec_w1[:, :, 0]], axis=1)
    bd1c = jnp.concatenate([dec_b1, dec_b1])[None]
    w2cat = jnp.concatenate([dec_w2[:, :, 1], dec_w2[:, :, 0]], axis=1)
    w2big = jnp.zeros((128, 256), f32).at[0:H, 0:128].set(w2cat) \
                                      .at[H:, 128:].set(w2cat)
    bd2big = jnp.concatenate([dec_b2, dec_b2, dec_b2, dec_b2])[None]
    wd3 = dec_w3[0, :, 0]
    wsel4 = jnp.zeros((256, 4), f32)
    for r in range(4):
        wsel4 = wsel4.at[r * H:(r + 1) * H, r].set(wd3)
    bd3 = dec_b3.reshape(1, 1)

    idx_flat = _vq_indices(imgr, w14, b14, w2c, b2, w3, b3, cbt)
    q = _sc_gather(codebook, idx_flat.reshape(NW, NCHUNK, CH))
    outr, quant, recon, commit = _decode(
        imgr4, q, w14, b14, w2c, b2, w3, b3, wd1c, bd1c, w2big, bd2big, wsel4,
        bd3)

    return (outr.reshape(B, 1, L), recon[0, 0], commit[0, 0],
            idx_flat.reshape(B, T), quant)

# --- scband reference (transcript-rebuilt; emitter-appended) ---
"""Pipeline reference for scband-vqvae-1640677507238 (READ-ONLY COPY).

The authoritative reference and input builder live on the scoring server;
editing this copy changes nothing except your own understanding.
"""

import jax, jax.numpy as jnp
import numpy as np


def conv1d(x, w, b, stride):
    # x: [N, C, L], w: [O, I, K] (OIH)
    out = jax.lax.conv_general_dilated(x, w, (stride,), 'VALID',
                                       dimension_numbers=('NCH', 'OIH', 'NCH'))
    return out + b[None, :, None]


def convT1d(x, w, b, stride):
    # x: [N, C, L], w: [I, O, K] (IOH)
    out = jax.lax.conv_transpose(x, w, (stride,), 'VALID',
                                 dimension_numbers=('NCH', 'IOH', 'NCH'))
    return out + b[None, :, None]


def setup_inputs(seed: int = 0) -> dict:
    key = jax.random.key(seed)
    ks = jax.random.split(key, 16)
    B, C, L = 64, 1, 1632
    H, D, K = 64, 512, 1024
    s = 0.05
    inp = {}
    inp['img'] = jax.random.normal(ks[0], (B, C, L), dtype=jnp.float32)
    # encoder: Conv1d(1,64,2,s2) -> ReLU -> Conv1d(64,64,2,s2) -> ReLU -> Conv1d(64,512,1)
    inp['enc_w1'] = jax.random.normal(ks[1], (H, C, 2), dtype=jnp.float32) * s
    inp['enc_b1'] = jnp.zeros((H,), dtype=jnp.float32)
    inp['enc_w2'] = jax.random.normal(ks[2], (H, H, 2), dtype=jnp.float32) * s
    inp['enc_b2'] = jnp.zeros((H,), dtype=jnp.float32)
    inp['enc_w3'] = jax.random.normal(ks[3], (D, H, 1), dtype=jnp.float32) * s
    inp['enc_b3'] = jnp.zeros((D,), dtype=jnp.float32)
    # VQ codebook [K, D]
    inp['codebook'] = jax.random.normal(ks[4], (K, D), dtype=jnp.float32)
    # decoder: ConvT1d(512,64,2,s2) -> ReLU -> ConvT1d(64,64,2,s2) -> ReLU -> Conv1d(64,1,1)
    inp['dec_w1'] = jax.random.normal(ks[5], (D, H, 2), dtype=jnp.float32) * s
    inp['dec_b1'] = jnp.zeros((H,), dtype=jnp.float32)
    inp['dec_w2'] = jax.random.normal(ks[6], (H, H, 2), dtype=jnp.float32) * s
    inp['dec_b2'] = jnp.zeros((H,), dtype=jnp.float32)
    inp['dec_w3'] = jax.random.normal(ks[7], (C, H, 1), dtype=jnp.float32) * s
    inp['dec_b3'] = jnp.zeros((C,), dtype=jnp.float32)
    return inp


def reference(img, enc_w1, enc_b1, enc_w2, enc_b2, enc_w3, enc_b3,
              codebook, dec_w1, dec_b1, dec_w2, dec_b2, dec_w3, dec_b3):
    commitment_weight = 1.0
    # encoder
    h = jax.nn.relu(conv1d(img, enc_w1, enc_b1, 2))
    h = jax.nn.relu(conv1d(h, enc_w2, enc_b2, 2))
    encoded = conv1d(h, enc_w3, enc_b3, 1)            # [B, D, T]
    x = jnp.transpose(encoded, (0, 2, 1))             # [B, T, D]
    # vector quantize: nearest codeword by squared euclidean distance
    x2 = jnp.sum(x * x, axis=-1, keepdims=True)       # [B, T, 1]
    c2 = jnp.sum(codebook * codebook, axis=-1)        # [K]
    dist = x2 - 2.0 * jnp.einsum('btd,kd->btk', x, codebook) + c2[None, None, :]
    indices = jnp.argmin(dist, axis=-1)               # [B, T] int
    q = jnp.take(codebook, indices, axis=0)           # [B, T, D] gather
    commit_loss = jnp.mean((jax.lax.stop_gradient(q) - x) ** 2) * commitment_weight
    q_st = x + jax.lax.stop_gradient(q - x)           # straight-through
    quantized = jnp.transpose(q_st, (0, 2, 1))        # [B, D, T]
    # decoder
    h = jax.nn.relu(convT1d(quantized, dec_w1, dec_b1, 2))
    h = jax.nn.relu(convT1d(h, dec_w2, dec_b2, 2))
    out = conv1d(h, dec_w3, dec_b3, 1)                # [B, 1, L]
    recon_loss = jnp.mean((img - out) ** 2)
    return (out, recon_loss, commit_loss, indices, quantized)

if __name__ == "__main__":
    import jax
    _d = setup_inputs()
    print(jax.jit(kernel)(*tuple(_d.values())))

</pallas_src>

<mosaic_0001>
#map = affine_map<(d0, d1) -> (0, 0)>
#map1 = affine_map<(d0, d1) -> (0, 0, 0)>
module attributes {stable_mosaic.version = 14 : i64} {
  func.func @body(%arg0: i32, %arg1: i32, %arg2: memref<1024x512xf32, #tpu.memory_space<hbm>>, %arg3: memref<32x17x48xi32, #tpu.memory_space<hbm>>, %arg4: memref<26112x512xf32, #tpu.memory_space<hbm>>, %arg5: memref<17x48xi32, #tpu.memory_space<vmem>>, %arg6: memref<48x512xf32, #tpu.memory_space<vmem>>, %arg7: memref<48x512xf32, #tpu.memory_space<vmem>>, %arg8: memref<48x512xf32, #tpu.memory_space<vmem>>, %arg9: memref<48x512xf32, #tpu.memory_space<vmem>>, %arg10: memref<!tpu.dma_semaphore, #tpu.memory_space<semaphore_mem>>, %arg11: memref<!tpu.dma_semaphore, #tpu.memory_space<semaphore_mem>>, %arg12: memref<!tpu.dma_semaphore, #tpu.memory_space<semaphore_mem>>, %arg13: memref<!tpu.dma_semaphore, #tpu.memory_space<semaphore_mem>>, %arg14: memref<!tpu.dma_semaphore, #tpu.memory_space<semaphore_mem>>, %arg15: memref<!tpu.dma_semaphore, #tpu.memory_space<semaphore_mem>>, %arg16: memref<!tpu.dma_semaphore, #tpu.memory_space<semaphore_mem>>, %arg17: memref<!tpu.dma_semaphore, #tpu.memory_space<semaphore_mem>>) attributes {dimension_semantics = [#tpu.dimension_semantics<core_parallel>, #tpu.dimension_semantics<subcore_parallel>], iteration_bounds = array<i64: 2, 16>, scalar_prefetch = 0 : i64, scratch_operands = 13 : i64, tpu.core_type = #tpu.core_type<sc_vector_subcore>, window_params = [{transform_indices = #map}, {transform_indices = #map1}, {transform_indices = #map}]} {
    %mul3A = arith.constant 2 : i32
    %mul3A_0 = arith.muli %arg1, %mul3A : i32
    %add3A = arith.addi %mul3A_0, %arg0 : i32
    %mul3A_1 = arith.constant 816 : i32
    %mul3A_2 = arith.muli %add3A, %mul3A_1 : i32
    "tpu.region"() ({
      %run_scoped3A = tpu.sem_alloc : memref<!tpu.dma_semaphore, #tpu.memory_space<semaphore_mem>>
      %dma_start3A_409 = arith.constant 0 : i32
      %dma_start3A_410 = arith.constant 0 : i32
      %dma_start3A_411 = tpu.memref_slice %arg3[%add3A, %dma_start3A_409, %dma_start3A_410] : memref<32x17x48xi32, #tpu.memory_space<hbm>> -> memref<1x17x48xi32, #tpu.memory_space<hbm>>
      %dma_start3A_412 = tpu.memref_squeeze %dma_start3A_411 : memref<1x17x48xi32, #tpu.memory_space<hbm>> -> memref<17x48xi32, #tpu.memory_space<hbm>>
      %dma_start3A_413 = arith.constant 0 : i32
      %dma_start3A_414 = arith.constant 0 : i32
      %dma_start3A_415 = tpu.memref_slice %arg3[%add3A, %dma_start3A_413, %dma_start3A_414] : memref<32x17x48xi32, #tpu.memory_space<hbm>> -> memref<1x17x48xi32, #tpu.memory_space<hbm>>
      %dma_start3A_416 = tpu.memref_squeeze %dma_start3A_415 : memref<1x17x48xi32, #tpu.memory_space<hbm>> -> memref<17x48xi32, #tpu.memory_space<hbm>>
      tpu.enqueue_dma source(%dma_start3A_416 : memref<17x48xi32, #tpu.memory_space<hbm>>) target(%arg5 : memref<17x48xi32, #tpu.memory_space<vmem>>) target_semaphore(%run_scoped3A : memref<!tpu.dma_semaphore, #tpu.memory_space<semaphore_mem>>)
      %dma_wait3A_417 = arith.constant 0 : i32
      %dma_wait3A_418 = arith.constant 0 : i32
      %dma_wait3A_419 = tpu.memref_slice %arg3[%add3A, %dma_wait3A_417, %dma_wait3A_418] : memref<32x17x48xi32, #tpu.memory_space<hbm>> -> memref<1x17x48xi32, #tpu.memory_space<hbm>>
      %dma_wait3A_420 = tpu.memref_squeeze %dma_wait3A_419 : memref<1x17x48xi32, #tpu.memory_space<hbm>> -> memref<17x48xi32, #tpu.memory_space<hbm>>
      %dma_wait3A_421 = arith.constant 0 : i32
      %dma_wait3A_422 = arith.constant 0 : i32
      %dma_wait3A_423 = tpu.memref_slice %arg3[%add3A, %dma_wait3A_421, %dma_wait3A_422] : memref<32x17x48xi32, #tpu.memory_space<hbm>> -> memref<1x17x48xi32, #tpu.memory_space<hbm>>
      %dma_wait3A_424 = tpu.memref_squeeze %dma_wait3A_423 : memref<1x17x48xi32, #tpu.memory_space<hbm>> -> memref<17x48xi32, #tpu.memory_space<hbm>>
      tpu.wait_dma2 semaphore(%run_scoped3A : memref<!tpu.dma_semaphore, #tpu.memory_space<semaphore_mem>>) src(%dma_wait3A_424 : memref<17x48xi32, #tpu.memory_space<hbm>>) dst(%arg5 : memref<17x48xi32, #tpu.memory_space<vmem>>)
      tpu.yield
    }) : () -> ()
    %dma_start3A = arith.constant 0 : i32
    %dma_start3A_3 = arith.constant 0 : i32
    %dma_start3A_4 = tpu.memref_slice %arg5[%dma_start3A, %dma_start3A_3] : memref<17x48xi32, #tpu.memory_space<vmem>> -> memref<1x48xi32, #tpu.memory_space<vmem>>
    %dma_start3A_5 = tpu.memref_squeeze %dma_start3A_4 : memref<1x48xi32, #tpu.memory_space<vmem>> -> memref<48xi32, #tpu.memory_space<vmem>>
    %dma_start3A_6 = arith.constant 0 : i32
    %dma_start3A_7 = arith.constant 0 : i32
    %dma_start3A_8 = tpu.memref_slice %arg2[%dma_start3A_6, %dma_start3A_7] : memref<1024x512xf32, #tpu.memory_space<hbm>> -> memref<1024x512xf32, #tpu.memory_space<hbm>>
    tpu.enqueue_indirect_dma source(%dma_start3A_8 : memref<1024x512xf32, #tpu.memory_space<hbm>>) target(%arg6 : memref<48x512xf32, #tpu.memory_space<vmem>>) offsets(%dma_start3A_5 : memref<48xi32, #tpu.memory_space<vmem>>) semaphore(%arg10 : memref<!tpu.dma_semaphore, #tpu.memory_space<semaphore_mem>>)
    %dma_start3A_9 = arith.constant 1 : i32
    %dma_start3A_10 = arith.constant 0 : i32
    %dma_start3A_11 = tpu.memref_slice %arg5[%dma_start3A_9, %dma_start3A_10] : memref<17x48xi32, #tpu.memory_space<vmem>> -> memref<1x48xi32, #tpu.memory_space<vmem>>
    %dma_start3A_12 = tpu.memref_squeeze %dma_start3A_11 : memref<1x48xi32, #tpu.memory_space<vmem>> -> memref<48xi32, #tpu.memory_space<vmem>>
    %dma_start3A_13 = arith.constant 0 : i32
    %dma_start3A_14 = arith.constant 0 : i32
    %dma_start3A_15 = tpu.memref_slice %arg2[%dma_start3A_13, %dma_start3A_14] : memref<1024x512xf32, #tpu.memory_space<hbm>> -> memref<1024x512xf32, #tpu.memory_space<hbm>>
    tpu.enqueue_indirect_dma source(%dma_start3A_15 : memref<1024x512xf32, #tpu.memory_space<hbm>>) target(%arg7 : memref<48x512xf32, #tpu.memory_space<vmem>>) offsets(%dma_start3A_12 : memref<48xi32, #tpu.memory_space<vmem>>) semaphore(%arg11 : memref<!tpu.dma_semaphore, #tpu.memory_space<semaphore_mem>>)
    %dma_start3A_16 = arith.constant 2 : i32
    %dma_start3A_17 = arith.constant 0 : i32
    %dma_start3A_18 = tpu.memref_slice %arg5[%dma_start3A_16, %dma_start3A_17] : memref<17x48xi32, #tpu.memory_space<vmem>> -> memref<1x48xi32, #tpu.memory_space<vmem>>
    %dma_start3A_19 = tpu.memref_squeeze %dma_start3A_18 : memref<1x48xi32, #tpu.memory_space<vmem>> -> memref<48xi32, #tpu.memory_space<vmem>>
    %dma_start3A_20 = arith.constant 0 : i32
    %dma_start3A_21 = arith.constant 0 : i32
    %dma_start3A_22 = tpu.memref_slice %arg2[%dma_start3A_20, %dma_start3A_21] : memref<1024x512xf32, #tpu.memory_space<hbm>> -> memref<1024x512xf32, #tpu.memory_space<hbm>>
    tpu.enqueue_indirect_dma source(%dma_start3A_22 : memref<1024x512xf32, #tpu.memory_space<hbm>>) target(%arg8 : memref<48x512xf32, #tpu.memory_space<vmem>>) offsets(%dma_start3A_19 : memref<48xi32, #tpu.memory_space<vmem>>) semaphore(%arg12 : memref<!tpu.dma_semaphore, #tpu.memory_space<semaphore_mem>>)
    %dma_start3A_23 = arith.constant 3 : i32
    %dma_start3A_24 = arith.constant 0 : i32
    %dma_start3A_25 = tpu.memref_slice %arg5[%dma_start3A_23, %dma_start3A_24] : memref<17x48xi32, #tpu.memory_space<vmem>> -> memref<1x48xi32, #tpu.memory_space<vmem>>
    %dma_start3A_26 = tpu.memref_squeeze %dma_start3A_25 : memref<1x48xi32, #tpu.memory_space<vmem>> -> memref<48xi32, #tpu.memory_space<vmem>>
    %dma_start3A_27 = arith.constant 0 : i32
    %dma_start3A_28 = arith.constant 0 : i32
    %dma_start3A_29 = tpu.memref_slice %arg2[%dma_start3A_27, %dma_start3A_28] : memref<1024x512xf32, #tpu.memory_space<hbm>> -> memref<1024x512xf32, #tpu.memory_space<hbm>>
    tpu.enqueue_indirect_dma source(%dma_start3A_29 : memref<1024x512xf32, #tpu.memory_space<hbm>>) target(%arg9 : memref<48x512xf32, #tpu.memory_space<vmem>>) offsets(%dma_start3A_26 : memref<48xi32, #tpu.memory_space<vmem>>) semaphore(%arg13 : memref<!tpu.dma_semaphore, #tpu.memory_space<semaphore_mem>>)
    %dma_wait3A = arith.constant 0 : i32
    %dma_wait3A_30 = arith.constant 0 : i32
    %dma_wait3A_31 = tpu.memref_slice %arg5[%dma_wait3A, %dma_wait3A_30] : memref<17x48xi32, #tpu.memory_space<vmem>> -> memref<1x48xi32, #tpu.memory_space<vmem>>
    %dma_wait3A_32 = tpu.memref_squeeze %dma_wait3A_31 : memref<1x48xi32, #tpu.memory_space<vmem>> -> memref<48xi32, #tpu.memory_space<vmem>>
    %dma_wait3A_33 = arith.constant 0 : i32
    %dma_wait3A_34 = arith.constant 0 : i32
    %dma_wait3A_35 = tpu.memref_slice %arg2[%dma_wait3A_33, %dma_wait3A_34] : memref<1024x512xf32, #tpu.memory_space<hbm>> -> memref<1024x512xf32, #tpu.memory_space<hbm>>
    tpu.wait_indirect_dma semaphore(%arg10 : memref<!tpu.dma_semaphore, #tpu.memory_space<semaphore_mem>>) src(%dma_wait3A_35 : memref<1024x512xf32, #tpu.memory_space<hbm>>) dst(%arg6 : memref<48x512xf32, #tpu.memory_space<vmem>>)
    %add3A_36 = arith.constant 0 : i32
    %add3A_37 = arith.addi %mul3A_2, %add3A_36 : i32
    %dma_start3A_38 = arith.constant 0 : i32
    %dma_start3A_39 = tpu.memref_slice %arg4[%add3A_37, %dma_start3A_38] : memref<26112x512xf32, #tpu.memory_space<hbm>> -> memref<48x512xf32, #tpu.memory_space<hbm>>
    %dma_start3A_40 = arith.constant 0 : i32
    %dma_start3A_41 = tpu.memref_slice %arg4[%add3A_37, %dma_start3A_40] : memref<26112x512xf32, #tpu.memory_space<hbm>> -> memref<48x512xf32, #tpu.memory_space<hbm>>
    tpu.enqueue_dma source(%arg6 : memref<48x512xf32, #tpu.memory_space<vmem>>) target(%dma_start3A_41 : memref<48x512xf32, #tpu.memory_space<hbm>>) target_semaphore(%arg14 : memref<!tpu.dma_semaphore, #tpu.memory_space<semaphore_mem>>)
    %dma_wait3A_42 = arith.constant 0 : i32
    %dma_wait3A_43 = tpu.memref_slice %arg4[%add3A_37, %dma_wait3A_42] : memref<26112x512xf32, #tpu.memory_space<hbm>> -> memref<48x512xf32, #tpu.memory_space<hbm>>
    %dma_wait3A_44 = arith.constant 0 : i32
    %dma_wait3A_45 = tpu.memref_slice %arg4[%add3A_37, %dma_wait3A_44] : memref<26112x512xf32, #tpu.memory_space<hbm>> -> memref<48x512xf32, #tpu.memory_space<hbm>>
    tpu.wait_dma2 semaphore(%arg14 : memref<!tpu.dma_semaphore, #tpu.memory_space<semaphore_mem>>) src(%arg6 : memref<48x512xf32, #tpu.memory_space<vmem>>) dst(%dma_wait3A_45 : memref<48x512xf32, #tpu.memory_space<hbm>>)
    %dma_start3A_46 = arith.constant 4 : i32
    %dma_start3A_47 = arith.constant 0 : i32
    %dma_start3A_48 = tpu.memref_slice %arg5[%dma_start3A_46, %dma_start3A_47] : memref<17x48xi32, #tpu.memory_space<vmem>> -> memref<1x48xi32, #tpu.memory_space<vmem>>
    %dma_start3A_49 = tpu.memref_squeeze %dma_start3A_48 : memref<1x48xi32, #tpu.memory_space<vmem>> -> memref<48xi32, #tpu.memory_space<vmem>>
    %dma_start3A_50 = arith.constant 0 : i32
    %dma_start3A_51 = arith.constant 0 : i32
    %dma_start3A_52 = tpu.memref_slice %arg2[%dma_start3A_50, %dma_start3A_51] : memref<1024x512xf32, #tpu.memory_space<hbm>> -> memref<1024x512xf32, #tpu.memory_space<hbm>>
    tpu.enqueue_indirect_dma source(%dma_start3A_52 : memref<1024x512xf32, #tpu.memory_space<hbm>>) target(%arg6 : memref<48x512xf32, #tpu.memory_space<vmem>>) offsets(%dma_start3A_49 : memref<48xi32, #tpu.memory_space<vmem>>) semaphore(%arg10 : memref<!tpu.dma_semaphore, #tpu.memory_space<semaphore_mem>>)
    %dma_wait3A_53 = arith.constant 1 : i32
    %dma_wait3A_54 = arith.constant 0 : i32
    %dma_wait3A_55 = tpu.memref_slice %arg5[%dma_wait3A_53, %dma_wait3A_54] : memref<17x48xi32, #tpu.memory_space<vmem>> -> memref<1x48xi32, #tpu.memory_space<vmem>>
    %dma_wait3A_56 = tpu.memref_squeeze %dma_wait3A_55 : memref<1x48xi32, #tpu.memory_space<vmem>> -> memref<48xi32, #tpu.memory_space<vmem>>
    %dma_wait3A_57 = arith.constant 0 : i32
    %dma_wait3A_58 = arith.constant 0 : i32
    %dma_wait3A_59 = tpu.memref_slice %arg2[%dma_wait3A_57, %dma_wait3A_58] : memref<1024x512xf32, #tpu.memory_space<hbm>> -> memref<1024x512xf32, #tpu.memory_space<hbm>>
    tpu.wait_indirect_dma semaphore(%arg11 : memref<!tpu.dma_semaphore, #tpu.memory_space<semaphore_mem>>) src(%dma_wait3A_59 : memref<1024x512xf32, #tpu.memory_space<hbm>>) dst(%arg7 : memref<48x512xf32, #tpu.memory_space<vmem>>)
    %add3A_60 = arith.constant 48 : i32
    %add3A_61 = arith.addi %mul3A_2, %add3A_60 : i32
    %dma_start3A_62 = arith.constant 0 : i32
    %dma_start3A_63 = tpu.memref_slice %arg4[%add3A_61, %dma_start3A_62] : memref<26112x512xf32, #tpu.memory_space<hbm>> -> memref<48x512xf32, #tpu.memory_space<hbm>>
    %dma_start3A_64 = arith.constant 0 : i32
    %dma_start3A_65 = tpu.memref_slice %arg4[%add3A_61, %dma_start3A_64] : memref<26112x512xf32, #tpu.memory_space<hbm>> -> memref<48x512xf32, #tpu.memory_space<hbm>>
    tpu.enqueue_dma source(%arg7 : memref<48x512xf32, #tpu.memory_space<vmem>>) target(%dma_start3A_65 : memref<48x512xf32, #tpu.memory_space<hbm>>) target_semaphore(%arg15 : memref<!tpu.dma_semaphore, #tpu.memory_space<semaphore_mem>>)
    %dma_wait3A_66 = arith.constant 0 : i32
    %dma_wait3A_67 = tpu.memref_slice %arg4[%add3A_61, %dma_wait3A_66] : memref<26112x512xf32, #tpu.memory_space<hbm>> -> memref<48x512xf32, #tpu.memory_space<hbm>>
    %dma_wait3A_68 = arith.constant 0 : i32
    %dma_wait3A_69 = tpu.memref_slice %arg4[%add3A_61, %dma_wait3A_68] : memref<26112x512xf32, #tpu.memory_space<hbm>> -> memref<48x512xf32, #tpu.memory_space<hbm>>
    tpu.wait_dma2 semaphore(%arg15 : memref<!tpu.dma_semaphore, #tpu.memory_space<semaphore_mem>>) src(%arg7 : memref<48x512xf32, #tpu.memory_space<vmem>>) dst(%dma_wait3A_69 : memref<48x512xf32, #tpu.memory_space<hbm>>)
    %dma_start3A_70 = arith.constant 5 : i32
    %dma_start3A_71 = arith.constant 0 : i32
    %dma_start3A_72 = tpu.memref_slice %arg5[%dma_start3A_70, %dma_start3A_71] : memref<17x48xi32, #tpu.memory_space<vmem>> -> memref<1x48xi32, #tpu.memory_space<vmem>>
    %dma_start3A_73 = tpu.memref_squeeze %dma_start3A_72 : memref<1x48xi32, #tpu.memory_space<vmem>> -> memref<48xi32, #tpu.memory_space<vmem>>
    %dma_start3A_74 = arith.constant 0 : i32
    %dma_start3A_75 = arith.constant 0 : i32
    %dma_start3A_76 = tpu.memref_slice %arg2[%dma_start3A_74, %dma_start3A_75] : memref<1024x512xf32, #tpu.memory_space<hbm>> -> memref<1024x512xf32, #tpu.memory_space<hbm>>
    tpu.enqueue_indirect_dma source(%dma_start3A_76 : memref<1024x512xf32, #tpu.memory_space<hbm>>) target(%arg7 : memref<48x512xf32, #tpu.memory_space<vmem>>) offsets(%dma_start3A_73 : memref<48xi32, #tpu.memory_space<vmem>>) semaphore(%arg11 : memref<!tpu.dma_semaphore, #tpu.memory_space<semaphore_mem>>)
    %dma_wait3A_77 = arith.constant 2 : i32
    %dma_wait3A_78 = arith.constant 0 : i32
    %dma_wait3A_79 = tpu.memref_slice %arg5[%dma_wait3A_77, %dma_wait3A_78] : memref<17x48xi32, #tpu.memory_space<vmem>> -> memref<1x48xi32, #tpu.memory_space<vmem>>
    %dma_wait3A_80 = tpu.memref_squeeze %dma_wait3A_79 : memref<1x48xi32, #tpu.memory_space<vmem>> -> memref<48xi32, #tpu.memory_space<vmem>>
    %dma_wait3A_81 = arith.constant 0 : i32
    %dma_wait3A_82 = arith.constant 0 : i32
    %dma_wait3A_83 = tpu.memref_slice %arg2[%dma_wait3A_81, %dma_wait3A_82] : memref<1024x512xf32, #tpu.memory_space<hbm>> -> memref<1024x512xf32, #tpu.memory_space<hbm>>
    tpu.wait_indirect_dma semaphore(%arg12 : memref<!tpu.dma_semaphore, #tpu.memory_space<semaphore_mem>>) src(%dma_wait3A_83 : memref<1024x512xf32, #tpu.memory_space<hbm>>) dst(%arg8 : memref<48x512xf32, #tpu.memory_space<vmem>>)
    %add3A_84 = arith.constant 96 : i32
    %add3A_85 = arith.addi %mul3A_2, %add3A_84 : i32
    %dma_start3A_86 = arith.constant 0 : i32
    %dma_start3A_87 = tpu.memref_slice %arg4[%add3A_85, %dma_start3A_86] : memref<26112x512xf32, #tpu.memory_space<hbm>> -> memref<48x512xf32, #tpu.memory_space<hbm>>
    %dma_start3A_88 = arith.constant 0 : i32
    %dma_start3A_89 = tpu.memref_slice %arg4[%add3A_85, %dma_start3A_88] : memref<26112x512xf32, #tpu.memory_space<hbm>> -> memref<48x512xf32, #tpu.memory_space<hbm>>
    tpu.enqueue_dma source(%arg8 : memref<48x512xf32, #tpu.memory_space<vmem>>) target(%dma_start3A_89 : memref<48x512xf32, #tpu.memory_space<hbm>>) target_semaphore(%arg16 : memref<!tpu.dma_semaphore, #tpu.memory_space<semaphore_mem>>)
    %dma_wait3A_90 = arith.constant 0 : i32
    %dma_wait3A_91 = tpu.memref_slice %arg4[%add3A_85, %dma_wait3A_90] : memref<26112x512xf32, #tpu.memory_space<hbm>> -> memref<48x512xf32, #tpu.memory_space<hbm>>
    %dma_wait3A_92 = arith.constant 0 : i32
    %dma_wait3A_93 = tpu.memref_slice %arg4[%add3A_85, %dma_wait3A_92] : memref<26112x512xf32, #tpu.memory_space<hbm>> -> memref<48x512xf32, #tpu.memory_space<hbm>>
    tpu.wait_dma2 semaphore(%arg16 : memref<!tpu.dma_semaphore, #tpu.memory_space<semaphore_mem>>) src(%arg8 : memref<48x512xf32, #tpu.memory_space<vmem>>) dst(%dma_wait3A_93 : memref<48x512xf32, #tpu.memory_space<hbm>>)
    %dma_start3A_94 = arith.constant 6 : i32
    %dma_start3A_95 = arith.constant 0 : i32
    %dma_start3A_96 = tpu.memref_slice %arg5[%dma_start3A_94, %dma_start3A_95] : memref<17x48xi32, #tpu.memory_space<vmem>> -> memref<1x48xi32, #tpu.memory_space<vmem>>
    %dma_start3A_97 = tpu.memref_squeeze %dma_start3A_96 : memref<1x48xi32, #tpu.memory_space<vmem>> -> memref<48xi32, #tpu.memory_space<vmem>>
    %dma_start3A_98 = arith.constant 0 : i32
    %dma_start3A_99 = arith.constant 0 : i32
    %dma_start3A_100 = tpu.memref_slice %arg2[%dma_start3A_98, %dma_start3A_99] : memref<1024x512xf32, #tpu.memory_space<hbm>> -> memref<1024x512xf32, #tpu.memory_space<hbm>>
    tpu.enqueue_indirect_dma source(%dma_start3A_100 : memref<1024x512xf32, #tpu.memory_space<hbm>>) target(%arg8 : memref<48x512xf32, #tpu.memory_space<vmem>>) offsets(%dma_start3A_97 : memref<48xi32, #tpu.memory_space<vmem>>) semaphore(%arg12 : memref<!tpu.dma_semaphore, #tpu.memory_space<semaphore_mem>>)
    %dma_wait3A_101 = arith.constant 3 : i32
    %dma_wait3A_102 = arith.constant 0 : i32
    %dma_wait3A_103 = tpu.memref_slice %arg5[%dma_wait3A_101, %dma_wait3A_102] : memref<17x48xi32, #tpu.memory_space<vmem>> -> memref<1x48xi32, #tpu.memory_space<vmem>>
    %dma_wait3A_104 = tpu.memref_squeeze %dma_wait3A_103 : memref<1x48xi32, #tpu.memory_space<vmem>> -> memref<48xi32, #tpu.memory_space<vmem>>
    %dma_wait3A_105 = arith.constant 0 : i32
    %dma_wait3A_106 = arith.constant 0 : i32
    %dma_wait3A_107 = tpu.memref_slice %arg2[%dma_wait3A_105, %dma_wait3A_106] : memref<1024x512xf32, #tpu.memory_space<hbm>> -> memref<1024x512xf32, #tpu.memory_space<hbm>>
    tpu.wait_indirect_dma semaphore(%arg13 : memref<!tpu.dma_semaphore, #tpu.memory_space<semaphore_mem>>) src(%dma_wait3A_107 : memref<1024x512xf32, #tpu.memory_space<hbm>>) dst(%arg9 : memref<48x512xf32, #tpu.memory_space<vmem>>)
    %add3A_108 = arith.constant 144 : i32
    %add3A_109 = arith.addi %mul3A_2, %add3A_108 : i32
    %dma_start3A_110 = arith.constant 0 : i32
    %dma_start3A_111 = tpu.memref_slice %arg4[%add3A_109, %dma_start3A_110] : memref<26112x512xf32, #tpu.memory_space<hbm>> -> memref<48x512xf32, #tpu.memory_space<hbm>>
    %dma_start3A_112 = arith.constant 0 : i32
    %dma_start3A_113 = tpu.memref_slice %arg4[%add3A_109, %dma_start3A_112] : memref<26112x512xf32, #tpu.memory_space<hbm>> -> memref<48x512xf32, #tpu.memory_space<hbm>>
    tpu.enqueue_dma source(%arg9 : memref<48x512xf32, #tpu.memory_space<vmem>>) target(%dma_start3A_113 : memref<48x512xf32, #tpu.memory_space<hbm>>) target_semaphore(%arg17 : memref<!tpu.dma_semaphore, #tpu.memory_space<semaphore_mem>>)
    %dma_wait3A_114 = arith.constant 0 : i32
    %dma_wait3A_115 = tpu.memref_slice %arg4[%add3A_109, %dma_wait3A_114] : memref<26112x512xf32, #tpu.memory_space<hbm>> -> memref<48x512xf32, #tpu.memory_space<hbm>>
    %dma_wait3A_116 = arith.constant 0 : i32
    %dma_wait3A_117 = tpu.memref_slice %arg4[%add3A_109, %dma_wait3A_116] : memref<26112x512xf32, #tpu.memory_space<hbm>> -> memref<48x512xf32, #tpu.memory_space<hbm>>
    tpu.wait_dma2 semaphore(%arg17 : memref<!tpu.dma_semaphore, #tpu.memory_space<semaphore_mem>>) src(%arg9 : memref<48x512xf32, #tpu.memory_space<vmem>>) dst(%dma_wait3A_117 : memref<48x512xf32, #tpu.memory_space<hbm>>)
    %dma_start3A_118 = arith.constant 7 : i32
    %dma_start3A_119 = arith.constant 0 : i32
    %dma_start3A_120 = tpu.memref_slice %arg5[%dma_start3A_118, %dma_start3A_119] : memref<17x48xi32, #tpu.memory_space<vmem>> -> memref<1x48xi32, #tpu.memory_space<vmem>>
    %dma_start3A_121 = tpu.memref_squeeze %dma_start3A_120 : memref<1x48xi32, #tpu.memory_space<vmem>> -> memref<48xi32, #tpu.memory_space<vmem>>
    %dma_start3A_122 = arith.constant 0 : i32
    %dma_start3A_123 = arith.constant 0 : i32
    %dma_start3A_124 = tpu.memref_slice %arg2[%dma_start3A_122, %dma_start3A_123] : memref<1024x512xf32, #tpu.memory_space<hbm>> -> memref<1024x512xf32, #tpu.memory_space<hbm>>
    tpu.enqueue_indirect_dma source(%dma_start3A_124 : memref<1024x512xf32, #tpu.memory_space<hbm>>) target(%arg9 : memref<48x512xf32, #tpu.memory_space<vmem>>) offsets(%dma_start3A_121 : memref<48xi32, #tpu.memory_space<vmem>>) semaphore(%arg13 : memref<!tpu.dma_semaphore, #tpu.memory_space<semaphore_mem>>)
    %dma_wait3A_125 = arith.constant 4 : i32
    %dma_wait3A_126 = arith.constant 0 : i32
    %dma_wait3A_127 = tpu.memref_slice %arg5[%dma_wait3A_125, %dma_wait3A_126] : memref<17x48xi32, #tpu.memory_space<vmem>> -> memref<1x48xi32, #tpu.memory_space<vmem>>
    %dma_wait3A_128 = tpu.memref_squeeze %dma_wait3A_127 : memref<1x48xi32, #tpu.memory_space<vmem>> -> memref<48xi32, #tpu.memory_space<vmem>>
    %dma_wait3A_129 = arith.constant 0 : i32
    %dma_wait3A_130 = arith.constant 0 : i32
    %dma_wait3A_131 = tpu.memref_slice %arg2[%dma_wait3A_129, %dma_wait3A_130] : memref<1024x512xf32, #tpu.memory_space<hbm>> -> memref<1024x512xf32, #tpu.memory_space<hbm>>
    tpu.wait_indirect_dma semaphore(%arg10 : memref<!tpu.dma_semaphore, #tpu.memory_space<semaphore_mem>>) src(%dma_wait3A_131 : memref<1024x512xf32, #tpu.memory_space<hbm>>) dst(%arg6 : memref<48x512xf32, #tpu.memory_space<vmem>>)
    %add3A_132 = arith.constant 192 : i32
    %add3A_133 = arith.addi %mul3A_2, %add3A_132 : i32
    %dma_start3A_134 = arith.constant 0 : i32
    %dma_start3A_135 = tpu.memref_slice %arg4[%add3A_133, %dma_start3A_134] : memref<26112x512xf32, #tpu.memory_space<hbm>> -> memref<48x512xf32, #tpu.memory_space<hbm>>
    %dma_start3A_136 = arith.constant 0 : i32
    %dma_start3A_137 = tpu.memref_slice %arg4[%add3A_133, %dma_start3A_136] : memref<26112x512xf32, #tpu.memory_space<hbm>> -> memref<48x512xf32, #tpu.memory_space<hbm>>
    tpu.enqueue_dma source(%arg6 : memref<48x512xf32, #tpu.memory_space<vmem>>) target(%dma_start3A_137 : memref<48x512xf32, #tpu.memory_space<hbm>>) target_semaphore(%arg14 : memref<!tpu.dma_semaphore, #tpu.memory_space<semaphore_mem>>)
    %dma_wait3A_138 = arith.constant 0 : i32
    %dma_wait3A_139 = tpu.memref_slice %arg4[%add3A_133, %dma_wait3A_138] : memref<26112x512xf32, #tpu.memory_space<hbm>> -> memref<48x512xf32, #tpu.memory_space<hbm>>
    %dma_wait3A_140 = arith.constant 0 : i32
    %dma_wait3A_141 = tpu.memref_slice %arg4[%add3A_133, %dma_wait3A_140] : memref<26112x512xf32, #tpu.memory_space<hbm>> -> memref<48x512xf32, #tpu.memory_space<hbm>>
    tpu.wait_dma2 semaphore(%arg14 : memref<!tpu.dma_semaphore, #tpu.memory_space<semaphore_mem>>) src(%arg6 : memref<48x512xf32, #tpu.memory_space<vmem>>) dst(%dma_wait3A_141 : memref<48x512xf32, #tpu.memory_space<hbm>>)
    %dma_start3A_142 = arith.constant 8 : i32
    %dma_start3A_143 = arith.constant 0 : i32
    %dma_start3A_144 = tpu.memref_slice %arg5[%dma_start3A_142, %dma_start3A_143] : memref<17x48xi32, #tpu.memory_space<vmem>> -> memref<1x48xi32, #tpu.memory_space<vmem>>
    %dma_start3A_145 = tpu.memref_squeeze %dma_start3A_144 : memref<1x48xi32, #tpu.memory_space<vmem>> -> memref<48xi32, #tpu.memory_space<vmem>>
    %dma_start3A_146 = arith.constant 0 : i32
    %dma_start3A_147 = arith.constant 0 : i32
    %dma_start3A_148 = tpu.memref_slice %arg2[%dma_start3A_146, %dma_start3A_147] : memref<1024x512xf32, #tpu.memory_space<hbm>> -> memref<1024x512xf32, #tpu.memory_space<hbm>>
    tpu.enqueue_indirect_dma source(%dma_start3A_148 : memref<1024x512xf32, #tpu.memory_space<hbm>>) target(%arg6 : memref<48x512xf32, #tpu.memory_space<vmem>>) offsets(%dma_start3A_145 : memref<48xi32, #tpu.memory_space<vmem>>) semaphore(%arg10 : memref<!tpu.dma_semaphore, #tpu.memory_space<semaphore_mem>>)
    %dma_wait3A_149 = arith.constant 5 : i32
    %dma_wait3A_150 = arith.constant 0 : i32
    %dma_wait3A_151 = tpu.memref_slice %arg5[%dma_wait3A_149, %dma_wait3A_150] : memref<17x48xi32, #tpu.memory_space<vmem>> -> memref<1x48xi32, #tpu.memory_space<vmem>>
    %dma_wait3A_152 = tpu.memref_squeeze %dma_wait3A_151 : memref<1x48xi32, #tpu.memory_space<vmem>> -> memref<48xi32, #tpu.memory_space<vmem>>
    %dma_wait3A_153 = arith.constant 0 : i32
    %dma_wait3A_154 = arith.constant 0 : i32
    %dma_wait3A_155 = tpu.memref_slice %arg2[%dma_wait3A_153, %dma_wait3A_154] : memref<1024x512xf32, #tpu.memory_space<hbm>> -> memref<1024x512xf32, #tpu.memory_space<hbm>>
    tpu.wait_indirect_dma semaphore(%arg11 : memref<!tpu.dma_semaphore, #tpu.memory_space<semaphore_mem>>) src(%dma_wait3A_155 : memref<1024x512xf32, #tpu.memory_space<hbm>>) dst(%arg7 : memref<48x512xf32, #tpu.memory_space<vmem>>)
    %add3A_156 = arith.constant 240 : i32
    %add3A_157 = arith.addi %mul3A_2, %add3A_156 : i32
    %dma_start3A_158 = arith.constant 0 : i32
    %dma_start3A_159 = tpu.memref_slice %arg4[%add3A_157, %dma_start3A_158] : memref<26112x512xf32, #tpu.memory_space<hbm>> -> memref<48x512xf32, #tpu.memory_space<hbm>>
    %dma_start3A_160 = arith.constant 0 : i32
    %dma_start3A_161 = tpu.memref_slice %arg4[%add3A_157, %dma_start3A_160] : memref<26112x512xf32, #tpu.memory_space<hbm>> -> memref<48x512xf32, #tpu.memory_space<hbm>>
    tpu.enqueue_dma source(%arg7 : memref<48x512xf32, #tpu.memory_space<vmem>>) target(%dma_start3A_161 : memref<48x512xf32, #tpu.memory_space<hbm>>) target_semaphore(%arg15 : memref<!tpu.dma_semaphore, #tpu.memory_space<semaphore_mem>>)
    %dma_wait3A_162 = arith.constant 0 : i32
    %dma_wait3A_163 = tpu.memref_slice %arg4[%add3A_157, %dma_wait3A_162] : memref<26112x512xf32, #tpu.memory_space<hbm>> -> memref<48x512xf32, #tpu.memory_space<hbm>>
    %dma_wait3A_164 = arith.constant 0 : i32
    %dma_wait3A_165 = tpu.memref_slice %arg4[%add3A_157, %dma_wait3A_164] : memref<26112x512xf32, #tpu.memory_space<hbm>> -> memref<48x512xf32, #tpu.memory_space<hbm>>
    tpu.wait_dma2 semaphore(%arg15 : memref<!tpu.dma_semaphore, #tpu.memory_space<semaphore_mem>>) src(%arg7 : memref<48x512xf32, #tpu.memory_space<vmem>>) dst(%dma_wait3A_165 : memref<48x512xf32, #tpu.memory_space<hbm>>)
    %dma_start3A_166 = arith.constant 9 : i32
    %dma_start3A_167 = arith.constant 0 : i32
    %dma_start3A_168 = tpu.memref_slice %arg5[%dma_start3A_166, %dma_start3A_167] : memref<17x48xi32, #tpu.memory_space<vmem>> -> memref<1x48xi32, #tpu.memory_space<vmem>>
    %dma_start3A_169 = tpu.memref_squeeze %dma_start3A_168 : memref<1x48xi32, #tpu.memory_space<vmem>> -> memref<48xi32, #tpu.memory_space<vmem>>
    %dma_start3A_170 = arith.constant 0 : i32
    %dma_start3A_171 = arith.constant 0 : i32
    %dma_start3A_172 = tpu.memref_slice %arg2[%dma_start3A_170, %dma_start3A_171] : memref<1024x512xf32, #tpu.memory_space<hbm>> -> memref<1024x512xf32, #tpu.memory_space<hbm>>
    tpu.enqueue_indirect_dma source(%dma_start3A_172 : memref<1024x512xf32, #tpu.memory_space<hbm>>) target(%arg7 : memref<48x512xf32, #tpu.memory_space<vmem>>) offsets(%dma_start3A_169 : memref<48xi32, #tpu.memory_space<vmem>>) semaphore(%arg11 : memref<!tpu.dma_semaphore, #tpu.memory_space<semaphore_mem>>)
    %dma_wait3A_173 = arith.constant 6 : i32
    %dma_wait3A_174 = arith.constant 0 : i32
    %dma_wait3A_175 = tpu.memref_slice %arg5[%dma_wait3A_173, %dma_wait3A_174] : memref<17x48xi32, #tpu.memory_space<vmem>> -> memref<1x48xi32, #tpu.memory_space<vmem>>
    %dma_wait3A_176 = tpu.memref_squeeze %dma_wait3A_175 : memref<1x48xi32, #tpu.memory_space<vmem>> -> memref<48xi32, #tpu.memory_space<vmem>>
    %dma_wait3A_177 = arith.constant 0 : i32
    %dma_wait3A_178 = arith.constant 0 : i32
    %dma_wait3A_179 = tpu.memref_slice %arg2[%dma_wait3A_177, %dma_wait3A_178] : memref<1024x512xf32, #tpu.memory_space<hbm>> -> memref<1024x512xf32, #tpu.memory_space<hbm>>
    tpu.wait_indirect_dma semaphore(%arg12 : memref<!tpu.dma_semaphore, #tpu.memory_space<semaphore_mem>>) src(%dma_wait3A_179 : memref<1024x512xf32, #tpu.memory_space<hbm>>) dst(%arg8 : memref<48x512xf32, #tpu.memory_space<vmem>>)
    %add3A_180 = arith.constant 288 : i32
    %add3A_181 = arith.addi %mul3A_2, %add3A_180 : i32
    %dma_start3A_182 = arith.constant 0 : i32
    %dma_start3A_183 = tpu.memref_slice %arg4[%add3A_181, %dma_start3A_182] : memref<26112x512xf32, #tpu.memory_space<hbm>> -> memref<48x512xf32, #tpu.memory_space<hbm>>
    %dma_start3A_184 = arith.constant 0 : i32
    %dma_start3A_185 = tpu.memref_slice %arg4[%add3A_181, %dma_start3A_184] : memref<26112x512xf32, #tpu.memory_space<hbm>> -> memref<48x512xf32, #tpu.memory_space<hbm>>
    tpu.enqueue_dma source(%arg8 : memref<48x512xf32, #tpu.memory_space<vmem>>) target(%dma_start3A_185 : memref<48x512xf32, #tpu.memory_space<hbm>>) target_semaphore(%arg16 : memref<!tpu.dma_semaphore, #tpu.memory_space<semaphore_mem>>)
    %dma_wait3A_186 = arith.constant 0 : i32
    %dma_wait3A_187 = tpu.memref_slice %arg4[%add3A_181, %dma_wait3A_186] : memref<26112x512xf32, #tpu.memory_space<hbm>> -> memref<48x512xf32, #tpu.memory_space<hbm>>
    %dma_wait3A_188 = arith.constant 0 : i32
    %dma_wait3A_189 = tpu.memref_slice %arg4[%add3A_181, %dma_wait3A_188] : memref<26112x512xf32, #tpu.memory_space<hbm>> -> memref<48x512xf32, #tpu.memory_space<hbm>>
    tpu.wait_dma2 semaphore(%arg16 : memref<!tpu.dma_semaphore, #tpu.memory_space<semaphore_mem>>) src(%arg8 : memref<48x512xf32, #tpu.memory_space<vmem>>) dst(%dma_wait3A_189 : memref<48x512xf32, #tpu.memory_space<hbm>>)
    %dma_start3A_190 = arith.constant 10 : i32
    %dma_start3A_191 = arith.constant 0 : i32
    %dma_start3A_192 = tpu.memref_slice %arg5[%dma_start3A_190, %dma_start3A_191] : memref<17x48xi32, #tpu.memory_space<vmem>> -> memref<1x48xi32, #tpu.memory_space<vmem>>
    %dma_start3A_193 = tpu.memref_squeeze %dma_start3A_192 : memref<1x48xi32, #tpu.memory_space<vmem>> -> memref<48xi32, #tpu.memory_space<vmem>>
    %dma_start3A_194 = arith.constant 0 : i32
    %dma_start3A_195 = arith.constant 0 : i32
    %dma_start3A_196 = tpu.memref_slice %arg2[%dma_start3A_194, %dma_start3A_195] : memref<1024x512xf32, #tpu.memory_space<hbm>> -> memref<1024x512xf32, #tpu.memory_space<hbm>>
    tpu.enqueue_indirect_dma source(%dma_start3A_196 : memref<1024x512xf32, #tpu.memory_space<hbm>>) target(%arg8 : memref<48x512xf32, #tpu.memory_space<vmem>>) offsets(%dma_start3A_193 : memref<48xi32, #tpu.memory_space<vmem>>) semaphore(%arg12 : memref<!tpu.dma_semaphore, #tpu.memory_space<semaphore_mem>>)
    %dma_wait3A_197 = arith.constant 7 : i32
    %dma_wait3A_198 = arith.constant 0 : i32
    %dma_wait3A_199 = tpu.memref_slice %arg5[%dma_wait3A_197, %dma_wait3A_198] : memref<17x48xi32, #tpu.memory_space<vmem>> -> memref<1x48xi32, #tpu.memory_space<vmem>>
    %dma_wait3A_200 = tpu.memref_squeeze %dma_wait3A_199 : memref<1x48xi32, #tpu.memory_space<vmem>> -> memref<48xi32, #tpu.memory_space<vmem>>
    %dma_wait3A_201 = arith.constant 0 : i32
    %dma_wait3A_202 = arith.constant 0 : i32
    %dma_wait3A_203 = tpu.memref_slice %arg2[%dma_wait3A_201, %dma_wait3A_202] : memref<1024x512xf32, #tpu.memory_space<hbm>> -> memref<1024x512xf32, #tpu.memory_space<hbm>>
    tpu.wait_indirect_dma semaphore(%arg13 : memref<!tpu.dma_semaphore, #tpu.memory_space<semaphore_mem>>) src(%dma_wait3A_203 : memref<1024x512xf32, #tpu.memory_space<hbm>>) dst(%arg9 : memref<48x512xf32, #tpu.memory_space<vmem>>)
    %add3A_204 = arith.constant 336 : i32
    %add3A_205 = arith.addi %mul3A_2, %add3A_204 : i32
    %dma_start3A_206 = arith.constant 0 : i32
    %dma_start3A_207 = tpu.memref_slice %arg4[%add3A_205, %dma_start3A_206] : memref<26112x512xf32, #tpu.memory_space<hbm>> -> memref<48x512xf32, #tpu.memory_space<hbm>>
    %dma_start3A_208 = arith.constant 0 : i32
    %dma_start3A_209 = tpu.memref_slice %arg4[%add3A_205, %dma_start3A_208] : memref<26112x512xf32, #tpu.memory_space<hbm>> -> memref<48x512xf32, #tpu.memory_space<hbm>>
    tpu.enqueue_dma source(%arg9 : memref<48x512xf32, #tpu.memory_space<vmem>>) target(%dma_start3A_209 : memref<48x512xf32, #tpu.memory_space<hbm>>) target_semaphore(%arg17 : memref<!tpu.dma_semaphore, #tpu.memory_space<semaphore_mem>>)
    %dma_wait3A_210 = arith.constant 0 : i32
    %dma_wait3A_211 = tpu.memref_slice %arg4[%add3A_205, %dma_wait3A_210] : memref<26112x512xf32, #tpu.memory_space<hbm>> -> memref<48x512xf32, #tpu.memory_space<hbm>>
    %dma_wait3A_212 = arith.constant 0 : i32
    %dma_wait3A_213 = tpu.memref_slice %arg4[%add3A_205, %dma_wait3A_212] : memref<26112x512xf32, #tpu.memory_space<hbm>> -> memref<48x512xf32, #tpu.memory_space<hbm>>
    tpu.wait_dma2 semaphore(%arg17 : memref<!tpu.dma_semaphore, #tpu.memory_space<semaphore_mem>>) src(%arg9 : memref<48x512xf32, #tpu.memory_space<vmem>>) dst(%dma_wait3A_213 : memref<48x512xf32, #tpu.memory_space<hbm>>)
    %dma_start3A_214 = arith.constant 11 : i32
    %dma_start3A_215 = arith.constant 0 : i32
    %dma_start3A_216 = tpu.memref_slice %arg5[%dma_start3A_214, %dma_start3A_215] : memref<17x48xi32, #tpu.memory_space<vmem>> -> memref<1x48xi32, #tpu.memory_space<vmem>>
    %dma_start3A_217 = tpu.memref_squeeze %dma_start3A_216 : memref<1x48xi32, #tpu.memory_space<vmem>> -> memref<48xi32, #tpu.memory_space<vmem>>
    %dma_start3A_218 = arith.constant 0 : i32
    %dma_start3A_219 = arith.constant 0 : i32
    %dma_start3A_220 = tpu.memref_slice %arg2[%dma_start3A_218, %dma_start3A_219] : memref<1024x512xf32, #tpu.memory_space<hbm>> -> memref<1024x512xf32, #tpu.memory_space<hbm>>
    tpu.enqueue_indirect_dma source(%dma_start3A_220 : memref<1024x512xf32, #tpu.memory_space<hbm>>) target(%arg9 : memref<48x512xf32, #tpu.memory_space<vmem>>) offsets(%dma_start3A_217 : memref<48xi32, #tpu.memory_space<vmem>>) semaphore(%arg13 : memref<!tpu.dma_semaphore, #tpu.memory_space<semaphore_mem>>)
    %dma_wait3A_221 = arith.constant 8 : i32
    %dma_wait3A_222 = arith.constant 0 : i32
    %dma_wait3A_223 = tpu.memref_slice %arg5[%dma_wait3A_221, %dma_wait3A_222] : memref<17x48xi32, #tpu.memory_space<vmem>> -> memref<1x48xi32, #tpu.memory_space<vmem>>
    %dma_wait3A_224 = tpu.memref_squeeze %dma_wait3A_223 : memref<1x48xi32, #tpu.memory_space<vmem>> -> memref<48xi32, #tpu.memory_space<vmem>>
    %dma_wait3A_225 = arith.constant 0 : i32
    %dma_wait3A_226 = arith.constant 0 : i32
    %dma_wait3A_227 = tpu.memref_slice %arg2[%dma_wait3A_225, %dma_wait3A_226] : memref<1024x512xf32, #tpu.memory_space<hbm>> -> memref<1024x512xf32, #tpu.memory_space<hbm>>
    tpu.wait_indirect_dma semaphore(%arg10 : memref<!tpu.dma_semaphore, #tpu.memory_space<semaphore_mem>>) src(%dma_wait3A_227 : memref<1024x512xf32, #tpu.memory_space<hbm>>) dst(%arg6 : memref<48x512xf32, #tpu.memory_space<vmem>>)
    %add3A_228 = arith.constant 384 : i32
    %add3A_229 = arith.addi %mul3A_2, %add3A_228 : i32
    %dma_start3A_230 = arith.constant 0 : i32
    %dma_start3A_231 = tpu.memref_slice %arg4[%add3A_229, %dma_start3A_230] : memref<26112x512xf32, #tpu.memory_space<hbm>> -> memref<48x512xf32, #tpu.memory_space<hbm>>
    %dma_start3A_232 = arith.constant 0 : i32
    %dma_start3A_233 = tpu.memref_slice %arg4[%add3A_229, %dma_start3A_232] : memref<26112x512xf32, #tpu.memory_space<hbm>> -> memref<48x512xf32, #tpu.memory_space<hbm>>
    tpu.enqueue_dma source(%arg6 : memref<48x512xf32, #tpu.memory_space<vmem>>) target(%dma_start3A_233 : memref<48x512xf32, #tpu.memory_space<hbm>>) target_semaphore(%arg14 : memref<!tpu.dma_semaphore, #tpu.memory_space<semaphore_mem>>)
    %dma_wait3A_234 = arith.constant 0 : i32
    %dma_wait3A_235 = tpu.memref_slice %arg4[%add3A_229, %dma_wait3A_234] : memref<26112x512xf32, #tpu.memory_space<hbm>> -> memref<48x512xf32, #tpu.memory_space<hbm>>
    %dma_wait3A_236 = arith.constant 0 : i32
    %dma_wait3A_237 = tpu.memref_slice %arg4[%add3A_229, %dma_wait3A_236] : memref<26112x512xf32, #tpu.memory_space<hbm>> -> memref<48x512xf32, #tpu.memory_space<hbm>>
    tpu.wait_dma2 semaphore(%arg14 : memref<!tpu.dma_semaphore, #tpu.memory_space<semaphore_mem>>) src(%arg6 : memref<48x512xf32, #tpu.memory_space<vmem>>) dst(%dma_wait3A_237 : memref<48x512xf32, #tpu.memory_space<hbm>>)
    %dma_start3A_238 = arith.constant 12 : i32
    %dma_start3A_239 = arith.constant 0 : i32
    %dma_start3A_240 = tpu.memref_slice %arg5[%dma_start3A_238, %dma_start3A_239] : memref<17x48xi32, #tpu.memory_space<vmem>> -> memref<1x48xi32, #tpu.memory_space<vmem>>
    %dma_start3A_241 = tpu.memref_squeeze %dma_start3A_240 : memref<1x48xi32, #tpu.memory_space<vmem>> -> memref<48xi32, #tpu.memory_space<vmem>>
    %dma_start3A_242 = arith.constant 0 : i32
    %dma_start3A_243 = arith.constant 0 : i32
    %dma_start3A_244 = tpu.memref_slice %arg2[%dma_start3A_242, %dma_start3A_243] : memref<1024x512xf32, #tpu.memory_space<hbm>> -> memref<1024x512xf32, #tpu.memory_space<hbm>>
    tpu.enqueue_indirect_dma source(%dma_start3A_244 : memref<1024x512xf32, #tpu.memory_space<hbm>>) target(%arg6 : memref<48x512xf32, #tpu.memory_space<vmem>>) offsets(%dma_start3A_241 : memref<48xi32, #tpu.memory_space<vmem>>) semaphore(%arg10 : memref<!tpu.dma_semaphore, #tpu.memory_space<semaphore_mem>>)
    %dma_wait3A_245 = arith.constant 9 : i32
    %dma_wait3A_246 = arith.constant 0 : i32
    %dma_wait3A_247 = tpu.memref_slice %arg5[%dma_wait3A_245, %dma_wait3A_246] : memref<17x48xi32, #tpu.memory_space<vmem>> -> memref<1x48xi32, #tpu.memory_space<vmem>>
    %dma_wait3A_248 = tpu.memref_squeeze %dma_wait3A_247 : memref<1x48xi32, #tpu.memory_space<vmem>> -> memref<48xi32, #tpu.memory_space<vmem>>
    %dma_wait3A_249 = arith.constant 0 : i32
    %dma_wait3A_250 = arith.constant 0 : i32
    %dma_wait3A_251 = tpu.memref_slice %arg2[%dma_wait3A_249, %dma_wait3A_250] : memref<1024x512xf32, #tpu.memory_space<hbm>> -> memref<1024x512xf32, #tpu.memory_space<hbm>>
    tpu.wait_indirect_dma semaphore(%arg11 : memref<!tpu.dma_semaphore, #tpu.memory_space<semaphore_mem>>) src(%dma_wait3A_251 : memref<1024x512xf32, #tpu.memory_space<hbm>>) dst(%arg7 : memref<48x512xf32, #tpu.memory_space<vmem>>)
    %add3A_252 = arith.constant 432 : i32
    %add3A_253 = arith.addi %mul3A_2, %add3A_252 : i32
    %dma_start3A_254 = arith.constant 0 : i32
    %dma_start3A_255 = tpu.memref_slice %arg4[%add3A_253, %dma_start3A_254] : memref<26112x512xf32, #tpu.memory_space<hbm>> -> memref<48x512xf32, #tpu.memory_space<hbm>>
    %dma_start3A_256 = arith.constant 0 : i32
    %dma_start3A_257 = tpu.memref_slice %arg4[%add3A_253, %dma_start3A_256] : memref<26112x512xf32, #tpu.memory_space<hbm>> -> memref<48x512xf32, #tpu.memory_space<hbm>>
    tpu.enqueue_dma source(%arg7 : memref<48x512xf32, #tpu.memory_space<vmem>>) target(%dma_start3A_257 : memref<48x512xf32, #tpu.memory_space<hbm>>) target_semaphore(%arg15 : memref<!tpu.dma_semaphore, #tpu.memory_space<semaphore_mem>>)
    %dma_wait3A_258 = arith.constant 0 : i32
    %dma_wait3A_259 = tpu.memref_slice %arg4[%add3A_253, %dma_wait3A_258] : memref<26112x512xf32, #tpu.memory_space<hbm>> -> memref<48x512xf32, #tpu.memory_space<hbm>>
    %dma_wait3A_260 = arith.constant 0 : i32
    %dma_wait3A_261 = tpu.memref_slice %arg4[%add3A_253, %dma_wait3A_260] : memref<26112x512xf32, #tpu.memory_space<hbm>> -> memref<48x512xf32, #tpu.memory_space<hbm>>
    tpu.wait_dma2 semaphore(%arg15 : memref<!tpu.dma_semaphore, #tpu.memory_space<semaphore_mem>>) src(%arg7 : memref<48x512xf32, #tpu.memory_space<vmem>>) dst(%dma_wait3A_261 : memref<48x512xf32, #tpu.memory_space<hbm>>)
    %dma_start3A_262 = arith.constant 13 : i32
    %dma_start3A_263 = arith.constant 0 : i32
    %dma_start3A_264 = tpu.memref_slice %arg5[%dma_start3A_262, %dma_start3A_263] : memref<17x48xi32, #tpu.memory_space<vmem>> -> memref<1x48xi32, #tpu.memory_space<vmem>>
    %dma_start3A_265 = tpu.memref_squeeze %dma_start3A_264 : memref<1x48xi32, #tpu.memory_space<vmem>> -> memref<48xi32, #tpu.memory_space<vmem>>
    %dma_start3A_266 = arith.constant 0 : i32
    %dma_start3A_267 = arith.constant 0 : i32
    %dma_start3A_268 = tpu.memref_slice %arg2[%dma_start3A_266, %dma_start3A_267] : memref<1024x512xf32, #tpu.memory_space<hbm>> -> memref<1024x512xf32, #tpu.memory_space<hbm>>
    tpu.enqueue_indirect_dma source(%dma_start3A_268 : memref<1024x512xf32, #tpu.memory_space<hbm>>) target(%arg7 : memref<48x512xf32, #tpu.memory_space<vmem>>) offsets(%dma_start3A_265 : memref<48xi32, #tpu.memory_space<vmem>>) semaphore(%arg11 : memref<!tpu.dma_semaphore, #tpu.memory_space<semaphore_mem>>)
    %dma_wait3A_269 = arith.constant 10 : i32
    %dma_wait3A_270 = arith.constant 0 : i32
    %dma_wait3A_271 = tpu.memref_slice %arg5[%dma_wait3A_269, %dma_wait3A_270] : memref<17x48xi32, #tpu.memory_space<vmem>> -> memref<1x48xi32, #tpu.memory_space<vmem>>
    %dma_wait3A_272 = tpu.memref_squeeze %dma_wait3A_271 : memref<1x48xi32, #tpu.memory_space<vmem>> -> memref<48xi32, #tpu.memory_space<vmem>>
    %dma_wait3A_273 = arith.constant 0 : i32
    %dma_wait3A_274 = arith.constant 0 : i32
    %dma_wait3A_275 = tpu.memref_slice %arg2[%dma_wait3A_273, %dma_wait3A_274] : memref<1024x512xf32, #tpu.memory_space<hbm>> -> memref<1024x512xf32, #tpu.memory_space<hbm>>
    tpu.wait_indirect_dma semaphore(%arg12 : memref<!tpu.dma_semaphore, #tpu.memory_space<semaphore_mem>>) src(%dma_wait3A_275 : memref<1024x512xf32, #tpu.memory_space<hbm>>) dst(%arg8 : memref<48x512xf32, #tpu.memory_space<vmem>>)
    %add3A_276 = arith.constant 480 : i32
    %add3A_277 = arith.addi %mul3A_2, %add3A_276 : i32
    %dma_start3A_278 = arith.constant 0 : i32
    %dma_start3A_279 = tpu.memref_slice %arg4[%add3A_277, %dma_start3A_278] : memref<26112x512xf32, #tpu.memory_space<hbm>> -> memref<48x512xf32, #tpu.memory_space<hbm>>
    %dma_start3A_280 = arith.constant 0 : i32
    %dma_start3A_281 = tpu.memref_slice %arg4[%add3A_277, %dma_start3A_280] : memref<26112x512xf32, #tpu.memory_space<hbm>> -> memref<48x512xf32, #tpu.memory_space<hbm>>
    tpu.enqueue_dma source(%arg8 : memref<48x512xf32, #tpu.memory_space<vmem>>) target(%dma_start3A_281 : memref<48x512xf32, #tpu.memory_space<hbm>>) target_semaphore(%arg16 : memref<!tpu.dma_semaphore, #tpu.memory_space<semaphore_mem>>)
    %dma_wait3A_282 = arith.constant 0 : i32
    %dma_wait3A_283 = tpu.memref_slice %arg4[%add3A_277, %dma_wait3A_282] : memref<26112x512xf32, #tpu.memory_space<hbm>> -> memref<48x512xf32, #tpu.memory_space<hbm>>
    %dma_wait3A_284 = arith.constant 0 : i32
    %dma_wait3A_285 = tpu.memref_slice %arg4[%add3A_277, %dma_wait3A_284] : memref<26112x512xf32, #tpu.memory_space<hbm>> -> memref<48x512xf32, #tpu.memory_space<hbm>>
    tpu.wait_dma2 semaphore(%arg16 : memref<!tpu.dma_semaphore, #tpu.memory_space<semaphore_mem>>) src(%arg8 : memref<48x512xf32, #tpu.memory_space<vmem>>) dst(%dma_wait3A_285 : memref<48x512xf32, #tpu.memory_space<hbm>>)
    %dma_start3A_286 = arith.constant 14 : i32
    %dma_start3A_287 = arith.constant 0 : i32
    %dma_start3A_288 = tpu.memref_slice %arg5[%dma_start3A_286, %dma_start3A_287] : memref<17x48xi32, #tpu.memory_space<vmem>> -> memref<1x48xi32, #tpu.memory_space<vmem>>
    %dma_start3A_289 = tpu.memref_squeeze %dma_start3A_288 : memref<1x48xi32, #tpu.memory_space<vmem>> -> memref<48xi32, #tpu.memory_space<vmem>>
    %dma_start3A_290 = arith.constant 0 : i32
    %dma_start3A_291 = arith.constant 0 : i32
    %dma_start3A_292 = tpu.memref_slice %arg2[%dma_start3A_290, %dma_start3A_291] : memref<1024x512xf32, #tpu.memory_space<hbm>> -> memref<1024x512xf32, #tpu.memory_space<hbm>>
    tpu.enqueue_indirect_dma source(%dma_start3A_292 : memref<1024x512xf32, #tpu.memory_space<hbm>>) target(%arg8 : memref<48x512xf32, #tpu.memory_space<vmem>>) offsets(%dma_start3A_289 : memref<48xi32, #tpu.memory_space<vmem>>) semaphore(%arg12 : memref<!tpu.dma_semaphore, #tpu.memory_space<semaphore_mem>>)
    %dma_wait3A_293 = arith.constant 11 : i32
    %dma_wait3A_294 = arith.constant 0 : i32
    %dma_wait3A_295 = tpu.memref_slice %arg5[%dma_wait3A_293, %dma_wait3A_294] : memref<17x48xi32, #tpu.memory_space<vmem>> -> memref<1x48xi32, #tpu.memory_space<vmem>>
    %dma_wait3A_296 = tpu.memref_squeeze %dma_wait3A_295 : memref<1x48xi32, #tpu.memory_space<vmem>> -> memref<48xi32, #tpu.memory_space<vmem>>
    %dma_wait3A_297 = arith.constant 0 : i32
    %dma_wait3A_298 = arith.constant 0 : i32
    %dma_wait3A_299 = tpu.memref_slice %arg2[%dma_wait3A_297, %dma_wait3A_298] : memref<1024x512xf32, #tpu.memory_space<hbm>> -> memref<1024x512xf32, #tpu.memory_space<hbm>>
    tpu.wait_indirect_dma semaphore(%arg13 : memref<!tpu.dma_semaphore, #tpu.memory_space<semaphore_mem>>) src(%dma_wait3A_299 : memref<1024x512xf32, #tpu.memory_space<hbm>>) dst(%arg9 : memref<48x512xf32, #tpu.memory_space<vmem>>)
    %add3A_300 = arith.constant 528 : i32
    %add3A_301 = arith.addi %mul3A_2, %add3A_300 : i32
    %dma_start3A_302 = arith.constant 0 : i32
    %dma_start3A_303 = tpu.memref_slice %arg4[%add3A_301, %dma_start3A_302] : memref<26112x512xf32, #tpu.memory_space<hbm>> -> memref<48x512xf32, #tpu.memory_space<hbm>>
    %dma_start3A_304 = arith.constant 0 : i32
    %dma_start3A_305 = tpu.memref_slice %arg4[%add3A_301, %dma_start3A_304] : memref<26112x512xf32, #tpu.memory_space<hbm>> -> memref<48x512xf32, #tpu.memory_space<hbm>>
    tpu.enqueue_dma source(%arg9 : memref<48x512xf32, #tpu.memory_space<vmem>>) target(%dma_start3A_305 : memref<48x512xf32, #tpu.memory_space<hbm>>) target_semaphore(%arg17 : memref<!tpu.dma_semaphore, #tpu.memory_space<semaphore_mem>>)
    %dma_wait3A_306 = arith.constant 0 : i32
    %dma_wait3A_307 = tpu.memref_slice %arg4[%add3A_301, %dma_wait3A_306] : memref<26112x512xf32, #tpu.memory_space<hbm>> -> memref<48x512xf32, #tpu.memory_space<hbm>>
    %dma_wait3A_308 = arith.constant 0 : i32
    %dma_wait3A_309 = tpu.memref_slice %arg4[%add3A_301, %dma_wait3A_308] : memref<26112x512xf32, #tpu.memory_space<hbm>> -> memref<48x512xf32, #tpu.memory_space<hbm>>
    tpu.wait_dma2 semaphore(%arg17 : memref<!tpu.dma_semaphore, #tpu.memory_space<semaphore_mem>>) src(%arg9 : memref<48x512xf32, #tpu.memory_space<vmem>>) dst(%dma_wait3A_309 : memref<48x512xf32, #tpu.memory_space<hbm>>)
    %dma_start3A_310 = arith.constant 15 : i32
    %dma_start3A_311 = arith.constant 0 : i32
    %dma_start3A_312 = tpu.memref_slice %arg5[%dma_start3A_310, %dma_start3A_311] : memref<17x48xi32, #tpu.memory_space<vmem>> -> memref<1x48xi32, #tpu.memory_space<vmem>>
    %dma_start3A_313 = tpu.memref_squeeze %dma_start3A_312 : memref<1x48xi32, #tpu.memory_space<vmem>> -> memref<48xi32, #tpu.memory_space<vmem>>
    %dma_start3A_314 = arith.constant 0 : i32
    %dma_start3A_315 = arith.constant 0 : i32
    %dma_start3A_316 = tpu.memref_slice %arg2[%dma_start3A_314, %dma_start3A_315] : memref<1024x512xf32, #tpu.memory_space<hbm>> -> memref<1024x512xf32, #tpu.memory_space<hbm>>
    tpu.enqueue_indirect_dma source(%dma_start3A_316 : memref<1024x512xf32, #tpu.memory_space<hbm>>) target(%arg9 : memref<48x512xf32, #tpu.memory_space<vmem>>) offsets(%dma_start3A_313 : memref<48xi32, #tpu.memory_space<vmem>>) semaphore(%arg13 : memref<!tpu.dma_semaphore, #tpu.memory_space<semaphore_mem>>)
    %dma_wait3A_317 = arith.constant 12 : i32
    %dma_wait3A_318 = arith.constant 0 : i32
    %dma_wait3A_319 = tpu.memref_slice %arg5[%dma_wait3A_317, %dma_wait3A_318] : memref<17x48xi32, #tpu.memory_space<vmem>> -> memref<1x48xi32, #tpu.memory_space<vmem>>
    %dma_wait3A_320 = tpu.memref_squeeze %dma_wait3A_319 : memref<1x48xi32, #tpu.memory_space<vmem>> -> memref<48xi32, #tpu.memory_space<vmem>>
    %dma_wait3A_321 = arith.constant 0 : i32
    %dma_wait3A_322 = arith.constant 0 : i32
    %dma_wait3A_323 = tpu.memref_slice %arg2[%dma_wait3A_321, %dma_wait3A_322] : memref<1024x512xf32, #tpu.memory_space<hbm>> -> memref<1024x512xf32, #tpu.memory_space<hbm>>
    tpu.wait_indirect_dma semaphore(%arg10 : memref<!tpu.dma_semaphore, #tpu.memory_space<semaphore_mem>>) src(%dma_wait3A_323 : memref<1024x512xf32, #tpu.memory_space<hbm>>) dst(%arg6 : memref<48x512xf32, #tpu.memory_space<vmem>>)
    %add3A_324 = arith.constant 576 : i32
    %add3A_325 = arith.addi %mul3A_2, %add3A_324 : i32
    %dma_start3A_326 = arith.constant 0 : i32
    %dma_start3A_327 = tpu.memref_slice %arg4[%add3A_325, %dma_start3A_326] : memref<26112x512xf32, #tpu.memory_space<hbm>> -> memref<48x512xf32, #tpu.memory_space<hbm>>
    %dma_start3A_328 = arith.constant 0 : i32
    %dma_start3A_329 = tpu.memref_slice %arg4[%add3A_325, %dma_start3A_328] : memref<26112x512xf32, #tpu.memory_space<hbm>> -> memref<48x512xf32, #tpu.memory_space<hbm>>
    tpu.enqueue_dma source(%arg6 : memref<48x512xf32, #tpu.memory_space<vmem>>) target(%dma_start3A_329 : memref<48x512xf32, #tpu.memory_space<hbm>>) target_semaphore(%arg14 : memref<!tpu.dma_semaphore, #tpu.memory_space<semaphore_mem>>)
    %dma_wait3A_330 = arith.constant 0 : i32
    %dma_wait3A_331 = tpu.memref_slice %arg4[%add3A_325, %dma_wait3A_330] : memref<26112x512xf32, #tpu.memory_space<hbm>> -> memref<48x512xf32, #tpu.memory_space<hbm>>
    %dma_wait3A_332 = arith.constant 0 : i32
    %dma_wait3A_333 = tpu.memref_slice %arg4[%add3A_325, %dma_wait3A_332] : memref<26112x512xf32, #tpu.memory_space<hbm>> -> memref<48x512xf32, #tpu.memory_space<hbm>>
    tpu.wait_dma2 semaphore(%arg14 : memref<!tpu.dma_semaphore, #tpu.memory_space<semaphore_mem>>) src(%arg6 : memref<48x512xf32, #tpu.memory_space<vmem>>) dst(%dma_wait3A_333 : memref<48x512xf32, #tpu.memory_space<hbm>>)
    %dma_start3A_334 = arith.constant 16 : i32
    %dma_start3A_335 = arith.constant 0 : i32
    %dma_start3A_336 = tpu.memref_slice %arg5[%dma_start3A_334, %dma_start3A_335] : memref<17x48xi32, #tpu.memory_space<vmem>> -> memref<1x48xi32, #tpu.memory_space<vmem>>
    %dma_start3A_337 = tpu.memref_squeeze %dma_start3A_336 : memref<1x48xi32, #tpu.memory_space<vmem>> -> memref<48xi32, #tpu.memory_space<vmem>>
    %dma_start3A_338 = arith.constant 0 : i32
    %dma_start3A_339 = arith.constant 0 : i32
    %dma_start3A_340 = tpu.memref_slice %arg2[%dma_start3A_338, %dma_start3A_339] : memref<1024x512xf32, #tpu.memory_space<hbm>> -> memref<1024x512xf32, #tpu.memory_space<hbm>>
    tpu.enqueue_indirect_dma source(%dma_start3A_340 : memref<1024x512xf32, #tpu.memory_space<hbm>>) target(%arg6 : memref<48x512xf32, #tpu.memory_space<vmem>>) offsets(%dma_start3A_337 : memref<48xi32, #tpu.memory_space<vmem>>) semaphore(%arg10 : memref<!tpu.dma_semaphore, #tpu.memory_space<semaphore_mem>>)
    %dma_wait3A_341 = arith.constant 13 : i32
    %dma_wait3A_342 = arith.constant 0 : i32
    %dma_wait3A_343 = tpu.memref_slice %arg5[%dma_wait3A_341, %dma_wait3A_342] : memref<17x48xi32, #tpu.memory_space<vmem>> -> memref<1x48xi32, #tpu.memory_space<vmem>>
    %dma_wait3A_344 = tpu.memref_squeeze %dma_wait3A_343 : memref<1x48xi32, #tpu.memory_space<vmem>> -> memref<48xi32, #tpu.memory_space<vmem>>
    %dma_wait3A_345 = arith.constant 0 : i32
    %dma_wait3A_346 = arith.constant 0 : i32
    %dma_wait3A_347 = tpu.memref_slice %arg2[%dma_wait3A_345, %dma_wait3A_346] : memref<1024x512xf32, #tpu.memory_space<hbm>> -> memref<1024x512xf32, #tpu.memory_space<hbm>>
    tpu.wait_indirect_dma semaphore(%arg11 : memref<!tpu.dma_semaphore, #tpu.memory_space<semaphore_mem>>) src(%dma_wait3A_347 : memref<1024x512xf32, #tpu.memory_space<hbm>>) dst(%arg7 : memref<48x512xf32, #tpu.memory_space<vmem>>)
    %add3A_348 = arith.constant 624 : i32
    %add3A_349 = arith.addi %mul3A_2, %add3A_348 : i32
    %dma_start3A_350 = arith.constant 0 : i32
    %dma_start3A_351 = tpu.memref_slice %arg4[%add3A_349, %dma_start3A_350] : memref<26112x512xf32, #tpu.memory_space<hbm>> -> memref<48x512xf32, #tpu.memory_space<hbm>>
    %dma_start3A_352 = arith.constant 0 : i32
    %dma_start3A_353 = tpu.memref_slice %arg4[%add3A_349, %dma_start3A_352] : memref<26112x512xf32, #tpu.memory_space<hbm>> -> memref<48x512xf32, #tpu.memory_space<hbm>>
    tpu.enqueue_dma source(%arg7 : memref<48x512xf32, #tpu.memory_space<vmem>>) target(%dma_start3A_353 : memref<48x512xf32, #tpu.memory_space<hbm>>) target_semaphore(%arg15 : memref<!tpu.dma_semaphore, #tpu.memory_space<semaphore_mem>>)
    %dma_wait3A_354 = arith.constant 14 : i32
    %dma_wait3A_355 = arith.constant 0 : i32
    %dma_wait3A_356 = tpu.memref_slice %arg5[%dma_wait3A_354, %dma_wait3A_355] : memref<17x48xi32, #tpu.memory_space<vmem>> -> memref<1x48xi32, #tpu.memory_space<vmem>>
    %dma_wait3A_357 = tpu.memref_squeeze %dma_wait3A_356 : memref<1x48xi32, #tpu.memory_space<vmem>> -> memref<48xi32, #tpu.memory_space<vmem>>
    %dma_wait3A_358 = arith.constant 0 : i32
    %dma_wait3A_359 = arith.constant 0 : i32
    %dma_wait3A_360 = tpu.memref_slice %arg2[%dma_wait3A_358, %dma_wait3A_359] : memref<1024x512xf32, #tpu.memory_space<hbm>> -> memref<1024x512xf32, #tpu.memory_space<hbm>>
    tpu.wait_indirect_dma semaphore(%arg12 : memref<!tpu.dma_semaphore, #tpu.memory_space<semaphore_mem>>) src(%dma_wait3A_360 : memref<1024x512xf32, #tpu.memory_space<hbm>>) dst(%arg8 : memref<48x512xf32, #tpu.memory_space<vmem>>)
    %add3A_361 = arith.constant 672 : i32
    %add3A_362 = arith.addi %mul3A_2, %add3A_361 : i32
    %dma_start3A_363 = arith.constant 0 : i32
    %dma_start3A_364 = tpu.memref_slice %arg4[%add3A_362, %dma_start3A_363] : memref<26112x512xf32, #tpu.memory_space<hbm>> -> memref<48x512xf32, #tpu.memory_space<hbm>>
    %dma_start3A_365 = arith.constant 0 : i32
    %dma_start3A_366 = tpu.memref_slice %arg4[%add3A_362, %dma_start3A_365] : memref<26112x512xf32, #tpu.memory_space<hbm>> -> memref<48x512xf32, #tpu.memory_space<hbm>>
    tpu.enqueue_dma source(%arg8 : memref<48x512xf32, #tpu.memory_space<vmem>>) target(%dma_start3A_366 : memref<48x512xf32, #tpu.memory_space<hbm>>) target_semaphore(%arg16 : memref<!tpu.dma_semaphore, #tpu.memory_space<semaphore_mem>>)
    %dma_wait3A_367 = arith.constant 15 : i32
    %dma_wait3A_368 = arith.constant 0 : i32
    %dma_wait3A_369 = tpu.memref_slice %arg5[%dma_wait3A_367, %dma_wait3A_368] : memref<17x48xi32, #tpu.memory_space<vmem>> -> memref<1x48xi32, #tpu.memory_space<vmem>>
    %dma_wait3A_370 = tpu.memref_squeeze %dma_wait3A_369 : memref<1x48xi32, #tpu.memory_space<vmem>> -> memref<48xi32, #tpu.memory_space<vmem>>
    %dma_wait3A_371 = arith.constant 0 : i32
    %dma_wait3A_372 = arith.constant 0 : i32
    %dma_wait3A_373 = tpu.memref_slice %arg2[%dma_wait3A_371, %dma_wait3A_372] : memref<1024x512xf32, #tpu.memory_space<hbm>> -> memref<1024x512xf32, #tpu.memory_space<hbm>>
    tpu.wait_indirect_dma semaphore(%arg13 : memref<!tpu.dma_semaphore, #tpu.memory_space<semaphore_mem>>) src(%dma_wait3A_373 : memref<1024x512xf32, #tpu.memory_space<hbm>>) dst(%arg9 : memref<48x512xf32, #tpu.memory_space<vmem>>)
    %add3A_374 = arith.constant 720 : i32
    %add3A_375 = arith.addi %mul3A_2, %add3A_374 : i32
    %dma_start3A_376 = arith.constant 0 : i32
    %dma_start3A_377 = tpu.memref_slice %arg4[%add3A_375, %dma_start3A_376] : memref<26112x512xf32, #tpu.memory_space<hbm>> -> memref<48x512xf32, #tpu.memory_space<hbm>>
    %dma_start3A_378 = arith.constant 0 : i32
    %dma_start3A_379 = tpu.memref_slice %arg4[%add3A_375, %dma_start3A_378] : memref<26112x512xf32, #tpu.memory_space<hbm>> -> memref<48x512xf32, #tpu.memory_space<hbm>>
    tpu.enqueue_dma source(%arg9 : memref<48x512xf32, #tpu.memory_space<vmem>>) target(%dma_start3A_379 : memref<48x512xf32, #tpu.memory_space<hbm>>) target_semaphore(%arg17 : memref<!tpu.dma_semaphore, #tpu.memory_space<semaphore_mem>>)
    %dma_wait3A_380 = arith.constant 16 : i32
    %dma_wait3A_381 = arith.constant 0 : i32
    %dma_wait3A_382 = tpu.memref_slice %arg5[%dma_wait3A_380, %dma_wait3A_381] : memref<17x48xi32, #tpu.memory_space<vmem>> -> memref<1x48xi32, #tpu.memory_space<vmem>>
    %dma_wait3A_383 = tpu.memref_squeeze %dma_wait3A_382 : memref<1x48xi32, #tpu.memory_space<vmem>> -> memref<48xi32, #tpu.memory_space<vmem>>
    %dma_wait3A_384 = arith.constant 0 : i32
    %dma_wait3A_385 = arith.constant 0 : i32
    %dma_wait3A_386 = tpu.memref_slice %arg2[%dma_wait3A_384, %dma_wait3A_385] : memref<1024x512xf32, #tpu.memory_space<hbm>> -> memref<1024x512xf32, #tpu.memory_space<hbm>>
    tpu.wait_indirect_dma semaphore(%arg10 : memref<!tpu.dma_semaphore, #tpu.memory_space<semaphore_mem>>) src(%dma_wait3A_386 : memref<1024x512xf32, #tpu.memory_space<hbm>>) dst(%arg6 : memref<48x512xf32, #tpu.memory_space<vmem>>)
    %add3A_387 = arith.constant 768 : i32
    %add3A_388 = arith.addi %mul3A_2, %add3A_387 : i32
    %dma_start3A_389 = arith.constant 0 : i32
    %dma_start3A_390 = tpu.memref_slice %arg4[%add3A_388, %dma_start3A_389] : memref<26112x512xf32, #tpu.memory_space<hbm>> -> memref<48x512xf32, #tpu.memory_space<hbm>>
    %dma_start3A_391 = arith.constant 0 : i32
    %dma_start3A_392 = tpu.memref_slice %arg4[%add3A_388, %dma_start3A_391] : memref<26112x512xf32, #tpu.memory_space<hbm>> -> memref<48x512xf32, #tpu.memory_space<hbm>>
    tpu.enqueue_dma source(%arg6 : memref<48x512xf32, #tpu.memory_space<vmem>>) target(%dma_start3A_392 : memref<48x512xf32, #tpu.memory_space<hbm>>) target_semaphore(%arg14 : memref<!tpu.dma_semaphore, #tpu.memory_space<semaphore_mem>>)
    %dma_wait3A_393 = arith.constant 0 : i32
    %dma_wait3A_394 = tpu.memref_slice %arg4[%add3A_349, %dma_wait3A_393] : memref<26112x512xf32, #tpu.memory_space<hbm>> -> memref<48x512xf32, #tpu.memory_space<hbm>>
    %dma_wait3A_395 = arith.constant 0 : i32
    %dma_wait3A_396 = tpu.memref_slice %arg4[%add3A_349, %dma_wait3A_395] : memref<26112x512xf32, #tpu.memory_space<hbm>> -> memref<48x512xf32, #tpu.memory_space<hbm>>
    tpu.wait_dma2 semaphore(%arg15 : memref<!tpu.dma_semaphore, #tpu.memory_space<semaphore_mem>>) src(%arg7 : memref<48x512xf32, #tpu.memory_space<vmem>>) dst(%dma_wait3A_396 : memref<48x512xf32, #tpu.memory_space<hbm>>)
    %dma_wait3A_397 = arith.constant 0 : i32
    %dma_wait3A_398 = tpu.memref_slice %arg4[%add3A_362, %dma_wait3A_397] : memref<26112x512xf32, #tpu.memory_space<hbm>> -> memref<48x512xf32, #tpu.memory_space<hbm>>
    %dma_wait3A_399 = arith.constant 0 : i32
    %dma_wait3A_400 = tpu.memref_slice %arg4[%add3A_362, %dma_wait3A_399] : memref<26112x512xf32, #tpu.memory_space<hbm>> -> memref<48x512xf32, #tpu.memory_space<hbm>>
    tpu.wait_dma2 semaphore(%arg16 : memref<!tpu.dma_semaphore, #tpu.memory_space<semaphore_mem>>) src(%arg8 : memref<48x512xf32, #tpu.memory_space<vmem>>) dst(%dma_wait3A_400 : memref<48x512xf32, #tpu.memory_space<hbm>>)
    %dma_wait3A_401 = arith.constant 0 : i32
    %dma_wait3A_402 = tpu.memref_slice %arg4[%add3A_375, %dma_wait3A_401] : memref<26112x512xf32, #tpu.memory_space<hbm>> -> memref<48x512xf32, #tpu.memory_space<hbm>>
    %dma_wait3A_403 = arith.constant 0 : i32
    %dma_wait3A_404 = tpu.memref_slice %arg4[%add3A_375, %dma_wait3A_403] : memref<26112x512xf32, #tpu.memory_space<hbm>> -> memref<48x512xf32, #tpu.memory_space<hbm>>
    tpu.wait_dma2 semaphore(%arg17 : memref<!tpu.dma_semaphore, #tpu.memory_space<semaphore_mem>>) src(%arg9 : memref<48x512xf32, #tpu.memory_space<vmem>>) dst(%dma_wait3A_404 : memref<48x512xf32, #tpu.memory_space<hbm>>)
    %dma_wait3A_405 = arith.constant 0 : i32
    %dma_wait3A_406 = tpu.memref_slice %arg4[%add3A_388, %dma_wait3A_405] : memref<26112x512xf32, #tpu.memory_space<hbm>> -> memref<48x512xf32, #tpu.memory_space<hbm>>
    %dma_wait3A_407 = arith.constant 0 : i32
    %dma_wait3A_408 = tpu.memref_slice %arg4[%add3A_388, %dma_wait3A_407] : memref<26112x512xf32, #tpu.memory_space<hbm>> -> memref<48x512xf32, #tpu.memory_space<hbm>>
    tpu.wait_dma2 semaphore(%arg14 : memref<!tpu.dma_semaphore, #tpu.memory_space<semaphore_mem>>) src(%arg6 : memref<48x512xf32, #tpu.memory_space<vmem>>) dst(%dma_wait3A_408 : memref<48x512xf32, #tpu.memory_space<hbm>>)
    return
  }
}

module attributes {stable_mosaic.version = 14 : i64} {
  func.func @_enc_vq_body(%arg0: i32, %arg1: memref<768x4xf32, #tpu.memory_space<vmem>>, %arg2: memref<4x128xf32, #tpu.memory_space<vmem>>, %arg3: memref<1x128xf32, #tpu.memory_space<vmem>>, %arg4: memref<128x64xf32, #tpu.memory_space<vmem>>, %arg5: memref<1x64xf32, #tpu.memory_space<vmem>>, %arg6: memref<64x512xf32, #tpu.memory_space<vmem>>, %arg7: memref<1x512xf32, #tpu.memory_space<vmem>>, %arg8: memref<512x1024xf32, #tpu.memory_space<vmem>>, %arg9: memref<1x1x768xi32, #tpu.memory_space<vmem>>, %arg10: memref<512x1024xbf16, #tpu.memory_space<vmem>>, %arg11: memref<1x1024xf32, #tpu.memory_space<vmem>>) attributes {dimension_semantics = [#tpu.dimension_semantics<arbitrary>], iteration_bounds = array<i64: 34>, scalar_prefetch = 0 : i64, scratch_operands = 2 : i64, tpu.core_type = #tpu.core_type<tc>, window_params = [{transform_indices = @transform_0, window_bounds = array<i64: 768, 4>}, {pipeline_mode = #tpu.pipeline_mode<synchronous>, transform_indices = @transform_1, window_bounds = array<i64: 4, 128>}, {pipeline_mode = #tpu.pipeline_mode<synchronous>, transform_indices = @transform_2, window_bounds = array<i64: 1, 128>}, {pipeline_mode = #tpu.pipeline_mode<synchronous>, transform_indices = @transform_3, window_bounds = array<i64: 128, 64>}, {pipeline_mode = #tpu.pipeline_mode<synchronous>, transform_indices = @transform_4, window_bounds = array<i64: 1, 64>}, {pipeline_mode = #tpu.pipeline_mode<synchronous>, transform_indices = @transform_5, window_bounds = array<i64: 64, 512>}, {pipeline_mode = #tpu.pipeline_mode<synchronous>, transform_indices = @transform_6, window_bounds = array<i64: 1, 512>}, {pipeline_mode = #tpu.pipeline_mode<synchronous>, transform_indices = @transform_7, window_bounds = array<i64: 512, 1024>}, {transform_indices = @transform_8, window_bounds = array<i64: 1, 1, 768>}]} {
    %eq3A = arith.constant 0 : i32
    %eq3A_0 = arith.cmpi eq, %arg0, %eq3A : i32
    %convert_element_type3A = arith.extui %eq3A_0 : i1 to i32
    %cond3A = arith.constant 0 : i32
    %cond3A_1 = arith.cmpi ne, %convert_element_type3A, %cond3A : i32
    scf.if %cond3A_1 {
      %get3A_63 = arith.constant 0 : index
      %get3A_64 = arith.constant 0 : index
      %get3A_65 = vector.load %arg8[%get3A_63, %get3A_64] : memref<512x1024xf32, #tpu.memory_space<vmem>>, vector<512x1024xf32>
      %mul3A = arith.constant -2.000000e+00 : f32
      %mul3A_66 = vector.broadcast %mul3A : f32 to vector<512x1024xf32>
      %mul3A_67 = arith.mulf %mul3A_66, %get3A_65 : vector<512x1024xf32>
      %convert_element_type3A_68 = arith.truncf %mul3A_67 : vector<512x1024xf32> to vector<512x1024xbf16>
      %swap3A_69 = arith.constant 0 : index
      %swap3A_70 = arith.constant 0 : index
      %swap3A_71 = vector.load %arg10[%swap3A_69, %swap3A_70] : memref<512x1024xbf16, #tpu.memory_space<vmem>>, vector<512x1024xbf16>
      tpu.vector_store %arg10[%swap3A_69, %swap3A_70], %convert_element_type3A_68 {strides = array<i32>} : memref<512x1024xbf16, #tpu.memory_space<vmem>>, vector<512x1024xbf16>,
      %mul3A_72 = arith.mulf %get3A_65, %get3A_65 : vector<512x1024xf32>
      %reduce_sum3A = arith.constant dense<0.000000e+00> : vector<1024xf32>
      %reduce_sum3A_73 = vector.multi_reduction <add>, %mul3A_72, %reduce_sum3A [0] : vector<512x1024xf32> to vector<1024xf32>
      %broadcast_in_dim3A_74 = vector.shape_cast %reduce_sum3A_73 : vector<1024xf32> to vector<1x1024xf32>
      %swap3A_75 = arith.constant 0 : index
      %swap3A_76 = arith.constant 0 : index
      %swap3A_77 = vector.load %arg11[%swap3A_75, %swap3A_76] : memref<1x1024xf32, #tpu.memory_space<vmem>>, vector<1x1024xf32>
      tpu.vector_store %arg11[%swap3A_75, %swap3A_76], %broadcast_in_dim3A_74 {strides = array<i32>} : memref<1x1024xf32, #tpu.memory_space<vmem>>, vector<1x1024xf32>,
    } else {
    }
    %get3A = arith.constant 0 : index
    %get3A_2 = arith.constant 0 : index
    %get3A_3 = vector.load %arg1[%get3A, %get3A_2] : memref<768x4xf32, #tpu.memory_space<vmem>>, vector<768x4xf32>
    %get3A_4 = arith.constant 0 : index
    %get3A_5 = arith.constant 0 : index
    %get3A_6 = vector.load %arg2[%get3A_4, %get3A_5] : memref<4x128xf32, #tpu.memory_space<vmem>>, vector<4x128xf32>
    %get3A_7 = arith.constant 0 : index
    %get3A_8 = arith.constant 0 : index
    %get3A_9 = vector.load %arg3[%get3A_7, %get3A_8] : memref<1x128xf32, #tpu.memory_space<vmem>>, vector<1x128xf32>
    %get3A_10 = arith.constant 0 : index
    %get3A_11 = arith.constant 0 : index
    %get3A_12 = vector.load %arg4[%get3A_10, %get3A_11] : memref<128x64xf32, #tpu.memory_space<vmem>>, vector<128x64xf32>
    %get3A_13 = arith.constant 0 : index
    %get3A_14 = arith.constant 0 : index
    %get3A_15 = vector.load %arg5[%get3A_13, %get3A_14] : memref<1x64xf32, #tpu.memory_space<vmem>>, vector<1x64xf32>
    %get3A_16 = arith.constant 0 : index
    %get3A_17 = arith.constant 0 : index
    %get3A_18 = vector.load %arg6[%get3A_16, %get3A_17] : memref<64x512xf32, #tpu.memory_space<vmem>>, vector<64x512xf32>
    %get3A_19 = arith.constant 0 : index
    %get3A_20 = arith.constant 0 : index
    %get3A_21 = vector.load %arg7[%get3A_19, %get3A_20] : memref<1x512xf32, #tpu.memory_space<vmem>>, vector<1x512xf32>
    %convert_element_type3A_22 = arith.truncf %get3A_3 : vector<768x4xf32> to vector<768x4xbf16>
    %convert_element_type3A_23 = arith.truncf %get3A_6 : vector<4x128xf32> to vector<4x128xbf16>
    %dot_general3A = arith.constant dense<0.000000e+00> : vector<768x128xf32>
    %dot_general3A_24 = tpu.matmul %convert_element_type3A_22, %convert_element_type3A_23, %dot_general3A {dimension_numbers = #tpu.dot_dimension_numbers<[1], [0], [0], [1], [0, 0, 1, 1], [], []>, transpose_lhs_hint = false} : vector<768x4xbf16>, vector<4x128xbf16>, vector<768x128xf32> -> vector<768x128xf32>
    %add3A = vector.broadcast %get3A_9 : vector<1x128xf32> to vector<768x128xf32>
    %add3A_25 = arith.addf %dot_general3A_24, %add3A : vector<768x128xf32>
    %max3A = arith.constant 0.000000e+00 : f32
    %max3A_26 = vector.broadcast %max3A : f32 to vector<768x128xf32>
    %max3A_27 = arith.maximumf %add3A_25, %max3A_26 : vector<768x128xf32>
    %convert_element_type3A_28 = arith.truncf %max3A_27 : vector<768x128xf32> to vector<768x128xbf16>
    %convert_element_type3A_29 = arith.truncf %get3A_12 : vector<128x64xf32> to vector<128x64xbf16>
    %dot_general3A_30 = arith.constant dense<0.000000e+00> : vector<768x64xf32>
    %dot_general3A_31 = tpu.matmul %convert_element_type3A_28, %convert_element_type3A_29, %dot_general3A_30 {dimension_numbers = #tpu.dot_dimension_numbers<[1], [0], [0], [1], [0, 0, 1, 1], [], []>, transpose_lhs_hint = false} : vector<768x128xbf16>, vector<128x64xbf16>, vector<768x64xf32> -> vector<768x64xf32>
    %add3A_32 = vector.broadcast %get3A_15 : vector<1x64xf32> to vector<768x64xf32>
    %add3A_33 = arith.addf %dot_general3A_31, %add3A_32 : vector<768x64xf32>
    %max3A_34 = arith.constant 0.000000e+00 : f32
    %max3A_35 = vector.broadcast %max3A_34 : f32 to vector<768x64xf32>
    %max3A_36 = arith.maximumf %add3A_33, %max3A_35 : vector<768x64xf32>
    %convert_element_type3A_37 = arith.truncf %max3A_36 : vector<768x64xf32> to vector<768x64xbf16>
    %convert_element_type3A_38 = arith.truncf %get3A_18 : vector<64x512xf32> to vector<64x512xbf16>
    %dot_general3A_39 = arith.constant dense<0.000000e+00> : vector<768x512xf32>
    %dot_general3A_40 = tpu.matmul %convert_element_type3A_37, %convert_element_type3A_38, %dot_general3A_39 {dimension_numbers = #tpu.dot_dimension_numbers<[1], [0], [0], [1], [0, 0, 1, 1], [], []>, transpose_lhs_hint = false} : vector<768x64xbf16>, vector<64x512xbf16>, vector<768x512xf32> -> vector<768x512xf32>
    %add3A_41 = vector.broadcast %get3A_21 : vector<1x512xf32> to vector<768x512xf32>
    %add3A_42 = arith.addf %dot_general3A_40, %add3A_41 : vector<768x512xf32>
    %convert_element_type3A_43 = arith.truncf %add3A_42 : vector<768x512xf32> to vector<768x512xbf16>
    %get3A_44 = arith.constant 0 : index
    %get3A_45 = arith.constant 0 : index
    %get3A_46 = vector.load %arg10[%get3A_44, %get3A_45] : memref<512x1024xbf16, #tpu.memory_space<vmem>>, vector<512x1024xbf16>
    %dot_general3A_47 = arith.constant dense<0.000000e+00> : vector<768x1024xf32>
    %dot_general3A_48 = tpu.matmul %convert_element_type3A_43, %get3A_46, %dot_general3A_47 {dimension_numbers = #tpu.dot_dimension_numbers<[1], [0], [0], [1], [0, 0, 1, 1], [], []>, transpose_lhs_hint = false} : vector<768x512xbf16>, vector<512x1024xbf16>, vector<768x1024xf32> -> vector<768x1024xf32>
    %get3A_49 = arith.constant 0 : index
    %get3A_50 = arith.constant 0 : index
    %get3A_51 = vector.load %arg11[%get3A_49, %get3A_50] : memref<1x1024xf32, #tpu.memory_space<vmem>>, vector<1x1024xf32>
    %add3A_52 = vector.broadcast %get3A_51 : vector<1x1024xf32> to vector<768x1024xf32>
    %add3A_53 = arith.addf %dot_general3A_48, %add3A_52 : vector<768x1024xf32>
    %iota3A = tpu.iota {dimensions = array<i32: 1>} : vector<768x1024xi32>
    %bitcast_convert_type3A = tpu.bitcast %add3A_53 : vector<768x1024xf32> -> vector<768x1024xi32>
    %and3A = arith.constant -1024 : i32
    %and3A_54 = vector.broadcast %and3A : i32 to vector<768x1024xi32>
    %and3A_55 = arith.andi %bitcast_convert_type3A, %and3A_54 : vector<768x1024xi32>
    %or3A = arith.ori %and3A_55, %iota3A : vector<768x1024xi32>
    %reduce_min3A = arith.constant dense<2147483647> : vector<768xi32>
    %reduce_min3A_56 = vector.multi_reduction <minsi>, %or3A, %reduce_min3A [1] : vector<768x1024xi32> to vector<768xi32>
    %and3A_57 = arith.constant 1023 : i32
    %and3A_58 = vector.broadcast %and3A_57 : i32 to vector<768xi32>
    %and3A_59 = arith.andi %reduce_min3A_56, %and3A_58 : vector<768xi32>
    %broadcast_in_dim3A = vector.shape_cast %and3A_59 : vector<768xi32> to vector<1x1x768xi32>
    %swap3A = arith.constant 0 : index
    %swap3A_60 = arith.constant 0 : index
    %swap3A_61 = arith.constant 0 : index
    %swap3A_62 = vector.load %arg9[%swap3A, %swap3A_60, %swap3A_61] : memref<1x1x768xi32, #tpu.memory_space<vmem>>, vector<1x1x768xi32>
    tpu.vector_store %arg9[%swap3A, %swap3A_60, %swap3A_61], %broadcast_in_dim3A {strides = array<i32>} : memref<1x1x768xi32, #tpu.memory_space<vmem>>, vector<1x1x768xi32>,
    return
  }
  func.func @transform_0(%arg0: i32) -> (i32, i32) {
    %c0_i32 = arith.constant 0 : i32
    %c0_i32_0 = arith.constant 0 : i32
    return %arg0, %c0_i32 : i32, i32
  }
  func.func @transform_1(%arg0: i32) -> (i32, i32) {
    %c0_i32 = arith.constant 0 : i32
    %c0_i32_0 = arith.constant 0 : i32
    %c0_i32_1 = arith.constant 0 : i32
    return %c0_i32, %c0_i32_0 : i32, i32
  }
  func.func @transform_2(%arg0: i32) -> (i32, i32) {
    %c0_i32 = arith.constant 0 : i32
    %c0_i32_0 = arith.constant 0 : i32
    %c0_i32_1 = arith.constant 0 : i32
    return %c0_i32, %c0_i32_0 : i32, i32
  }
  func.func @transform_3(%arg0: i32) -> (i32, i32) {
    %c0_i32 = arith.constant 0 : i32
    %c0_i32_0 = arith.constant 0 : i32
    %c0_i32_1 = arith.constant 0 : i32
    return %c0_i32, %c0_i32_0 : i32, i32
  }
  func.func @transform_4(%arg0: i32) -> (i32, i32) {
    %c0_i32 = arith.constant 0 : i32
    %c0_i32_0 = arith.constant 0 : i32
    %c0_i32_1 = arith.constant 0 : i32
    return %c0_i32, %c0_i32_0 : i32, i32
  }
  func.func @transform_5(%arg0: i32) -> (i32, i32) {
    %c0_i32 = arith.constant 0 : i32
    %c0_i32_0 = arith.constant 0 : i32
    %c0_i32_1 = arith.constant 0 : i32
    return %c0_i32, %c0_i32_0 : i32, i32
  }
  func.func @transform_6(%arg0: i32) -> (i32, i32) {
    %c0_i32 = arith.constant 0 : i32
    %c0_i32_0 = arith.constant 0 : i32
    %c0_i32_1 = arith.constant 0 : i32
    return %c0_i32, %c0_i32_0 : i32, i32
  }
  func.func @transform_7(%arg0: i32) -> (i32, i32) {
    %c0_i32 = arith.constant 0 : i32
    %c0_i32_0 = arith.constant 0 : i32
    %c0_i32_1 = arith.constant 0 : i32
    return %c0_i32, %c0_i32_0 : i32, i32
  }
  func.func @transform_8(%arg0: i32) -> (i32, i32, i32) {
    %c0_i32 = arith.constant 0 : i32
    %c0_i32_0 = arith.constant 0 : i32
    %c0_i32_1 = arith.constant 0 : i32
    return %arg0, %c0_i32, %c0_i32_0 : i32, i32, i32
  }
}

module attributes {stable_mosaic.version = 14 : i64} {
  func.func @_dec_body(%arg0: i32, %arg1: memref<4x408x4xf32, #tpu.memory_space<vmem>>, %arg2: memref<1632x512xf32, #tpu.memory_space<vmem>>, %arg3: memref<4x128xf32, #tpu.memory_space<vmem>>, %arg4: memref<1x128xf32, #tpu.memory_space<vmem>>, %arg5: memref<128x64xf32, #tpu.memory_space<vmem>>, %arg6: memref<1x64xf32, #tpu.memory_space<vmem>>, %arg7: memref<64x512xf32, #tpu.memory_space<vmem>>, %arg8: memref<1x512xf32, #tpu.memory_space<vmem>>, %arg9: memref<512x128xf32, #tpu.memory_space<vmem>>, %arg10: memref<1x128xf32, #tpu.memory_space<vmem>>, %arg11: memref<128x256xf32, #tpu.memory_space<vmem>>, %arg12: memref<1x256xf32, #tpu.memory_space<vmem>>, %arg13: memref<256x4xf32, #tpu.memory_space<vmem>>, %arg14: memref<1x1xf32, #tpu.memory_space<vmem>>, %arg15: memref<4x408x4xf32, #tpu.memory_space<vmem>>, %arg16: memref<4x512x408xf32, #tpu.memory_space<vmem>>, %arg17: memref<1x1xf32, #tpu.memory_space<smem>>, %arg18: memref<1x1xf32, #tpu.memory_space<smem>>) attributes {dimension_semantics = [#tpu.dimension_semantics<arbitrary>], iteration_bounds = array<i64: 16>, scalar_prefetch = 0 : i64, scratch_operands = 0 : i64, tpu.core_type = #tpu.core_type<tc>, window_params = [{transform_indices = @transform_0, window_bounds = array<i64: 4, 408, 4>}, {transform_indices = @transform_1, window_bounds = array<i64: 1632, 512>}, {pipeline_mode = #tpu.pipeline_mode<synchronous>, transform_indices = @transform_2, window_bounds = array<i64: 4, 128>}, {pipeline_mode = #tpu.pipeline_mode<synchronous>, transform_indices = @transform_3, window_bounds = array<i64: 1, 128>}, {pipeline_mode = #tpu.pipeline_mode<synchronous>, transform_indices = @transform_4, window_bounds = array<i64: 128, 64>}, {pipeline_mode = #tpu.pipeline_mode<synchronous>, transform_indices = @transform_5, window_bounds = array<i64: 1, 64>}, {pipeline_mode = #tpu.pipeline_mode<synchronous>, transform_indices = @transform_6, window_bounds = array<i64: 64, 512>}, {pipeline_mode = #tpu.pipeline_mode<synchronous>, transform_indices = @transform_7, window_bounds = array<i64: 1, 512>}, {pipeline_mode = #tpu.pipeline_mode<synchronous>, transform_indices = @transform_8, window_bounds = array<i64: 512, 128>}, {pipeline_mode = #tpu.pipeline_mode<synchronous>, transform_indices = @transform_9, window_bounds = array<i64: 1, 128>}, {pipeline_mode = #tpu.pipeline_mode<synchronous>, transform_indices = @transform_10, window_bounds = array<i64: 128, 256>}, {pipeline_mode = #tpu.pipeline_mode<synchronous>, transform_indices = @transform_11, window_bounds = array<i64: 1, 256>}, {pipeline_mode = #tpu.pipeline_mode<synchronous>, transform_indices = @transform_12, window_bounds = array<i64: 256, 4>}, {pipeline_mode = #tpu.pipeline_mode<synchronous>, transform_indices = @transform_13, window_bounds = array<i64: 1, 1>}, {transform_indices = @transform_14, window_bounds = array<i64: 4, 408, 4>}, {transform_indices = @transform_15, window_bounds = array<i64: 4, 512, 408>}, {transform_indices = @transform_16, window_bounds = array<i64: 1, 1>}, {transform_indices = @transform_17, window_bounds = array<i64: 1, 1>}]} {
    %get3A = arith.constant 0 : index
    %get3A_0 = arith.constant 0 : index
    %get3A_1 = arith.constant 0 : index
    %get3A_2 = vector.load %arg1[%get3A, %get3A_0, %get3A_1] : memref<4x408x4xf32, #tpu.memory_space<vmem>>, vector<4x408x4xf32>
    %reshape3A = vector.shape_cast %get3A_2 : vector<4x408x4xf32> to vector<1632x4xf32>
    %get3A_3 = arith.constant 0 : index
    %get3A_4 = arith.constant 0 : index
    %get3A_5 = vector.load %arg2[%get3A_3, %get3A_4] : memref<1632x512xf32, #tpu.memory_space<vmem>>, vector<1632x512xf32>
    %get3A_6 = arith.constant 0 : index
    %get3A_7 = arith.constant 0 : index
    %get3A_8 = vector.load %arg3[%get3A_6, %get3A_7] : memref<4x128xf32, #tpu.memory_space<vmem>>, vector<4x128xf32>
    %get3A_9 = arith.constant 0 : index
    %get3A_10 = arith.constant 0 : index
    %get3A_11 = vector.load %arg4[%get3A_9, %get3A_10] : memref<1x128xf32, #tpu.memory_space<vmem>>, vector<1x128xf32>
    %get3A_12 = arith.constant 0 : index
    %get3A_13 = arith.constant 0 : index
    %get3A_14 = vector.load %arg5[%get3A_12, %get3A_13] : memref<128x64xf32, #tpu.memory_space<vmem>>, vector<128x64xf32>
    %get3A_15 = arith.constant 0 : index
    %get3A_16 = arith.constant 0 : index
    %get3A_17 = vector.load %arg6[%get3A_15, %get3A_16] : memref<1x64xf32, #tpu.memory_space<vmem>>, vector<1x64xf32>
    %get3A_18 = arith.constant 0 : index
    %get3A_19 = arith.constant 0 : index
    %get3A_20 = vector.load %arg7[%get3A_18, %get3A_19] : memref<64x512xf32, #tpu.memory_space<vmem>>, vector<64x512xf32>
    %get3A_21 = arith.constant 0 : index
    %get3A_22 = arith.constant 0 : index
    %get3A_23 = vector.load %arg8[%get3A_21, %get3A_22] : memref<1x512xf32, #tpu.memory_space<vmem>>, vector<1x512xf32>
    %convert_element_type3A = arith.truncf %reshape3A : vector<1632x4xf32> to vector<1632x4xbf16>
    %convert_element_type3A_24 = arith.truncf %get3A_8 : vector<4x128xf32> to vector<4x128xbf16>
    %dot_general3A = arith.constant dense<0.000000e+00> : vector<1632x128xf32>
    %dot_general3A_25 = tpu.matmul %convert_element_type3A, %convert_element_type3A_24, %dot_general3A {dimension_numbers = #tpu.dot_dimension_numbers<[1], [0], [0], [1], [0, 0, 1, 1], [], []>, transpose_lhs_hint = false} : vector<1632x4xbf16>, vector<4x128xbf16>, vector<1632x128xf32> -> vector<1632x128xf32>
    %add3A = vector.broadcast %get3A_11 : vector<1x128xf32> to vector<1632x128xf32>
    %add3A_26 = arith.addf %dot_general3A_25, %add3A : vector<1632x128xf32>
    %max3A = arith.constant 0.000000e+00 : f32
    %max3A_27 = vector.broadcast %max3A : f32 to vector<1632x128xf32>
    %max3A_28 = arith.maximumf %add3A_26, %max3A_27 : vector<1632x128xf32>
    %convert_element_type3A_29 = arith.truncf %max3A_28 : vector<1632x128xf32> to vector<1632x128xbf16>
    %convert_element_type3A_30 = arith.truncf %get3A_14 : vector<128x64xf32> to vector<128x64xbf16>
    %dot_general3A_31 = arith.constant dense<0.000000e+00> : vector<1632x64xf32>
    %dot_general3A_32 = tpu.matmul %convert_element_type3A_29, %convert_element_type3A_30, %dot_general3A_31 {dimension_numbers = #tpu.dot_dimension_numbers<[1], [0], [0], [1], [0, 0, 1, 1], [], []>, transpose_lhs_hint = false} : vector<1632x128xbf16>, vector<128x64xbf16>, vector<1632x64xf32> -> vector<1632x64xf32>
    %add3A_33 = vector.broadcast %get3A_17 : vector<1x64xf32> to vector<1632x64xf32>
    %add3A_34 = arith.addf %dot_general3A_32, %add3A_33 : vector<1632x64xf32>
    %max3A_35 = arith.constant 0.000000e+00 : f32
    %max3A_36 = vector.broadcast %max3A_35 : f32 to vector<1632x64xf32>
    %max3A_37 = arith.maximumf %add3A_34, %max3A_36 : vector<1632x64xf32>
    %convert_element_type3A_38 = arith.truncf %max3A_37 : vector<1632x64xf32> to vector<1632x64xbf16>
    %convert_element_type3A_39 = arith.truncf %get3A_20 : vector<64x512xf32> to vector<64x512xbf16>
    %dot_general3A_40 = arith.constant dense<0.000000e+00> : vector<1632x512xf32>
    %dot_general3A_41 = tpu.matmul %convert_element_type3A_38, %convert_element_type3A_39, %dot_general3A_40 {dimension_numbers = #tpu.dot_dimension_numbers<[1], [0], [0], [1], [0, 0, 1, 1], [], []>, transpose_lhs_hint = false} : vector<1632x64xbf16>, vector<64x512xbf16>, vector<1632x512xf32> -> vector<1632x512xf32>
    %add3A_42 = vector.broadcast %get3A_23 : vector<1x512xf32> to vector<1632x512xf32>
    %add3A_43 = arith.addf %dot_general3A_41, %add3A_42 : vector<1632x512xf32>
    %get3A_44 = arith.constant 0 : index
    %get3A_45 = arith.constant 0 : index
    %get3A_46 = vector.load %arg9[%get3A_44, %get3A_45] : memref<512x128xf32, #tpu.memory_space<vmem>>, vector<512x128xf32>
    %convert_element_type3A_47 = arith.truncf %get3A_5 : vector<1632x512xf32> to vector<1632x512xbf16>
    %convert_element_type3A_48 = arith.truncf %get3A_46 : vector<512x128xf32> to vector<512x128xbf16>
    %dot_general3A_49 = arith.constant dense<0.000000e+00> : vector<1632x128xf32>
    %dot_general3A_50 = tpu.matmul %convert_element_type3A_47, %convert_element_type3A_48, %dot_general3A_49 {dimension_numbers = #tpu.dot_dimension_numbers<[1], [0], [0], [1], [0, 0, 1, 1], [], []>, transpose_lhs_hint = false} : vector<1632x512xbf16>, vector<512x128xbf16>, vector<1632x128xf32> -> vector<1632x128xf32>
    %get3A_51 = arith.constant 0 : index
    %get3A_52 = arith.constant 0 : index
    %get3A_53 = vector.load %arg10[%get3A_51, %get3A_52] : memref<1x128xf32, #tpu.memory_space<vmem>>, vector<1x128xf32>
    %add3A_54 = vector.broadcast %get3A_53 : vector<1x128xf32> to vector<1632x128xf32>
    %add3A_55 = arith.addf %dot_general3A_50, %add3A_54 : vector<1632x128xf32>
    %max3A_56 = arith.constant 0.000000e+00 : f32
    %max3A_57 = vector.broadcast %max3A_56 : f32 to vector<1632x128xf32>
    %max3A_58 = arith.maximumf %add3A_55, %max3A_57 : vector<1632x128xf32>
    %get3A_59 = arith.constant 0 : index
    %get3A_60 = arith.constant 0 : index
    %get3A_61 = vector.load %arg11[%get3A_59, %get3A_60] : memref<128x256xf32, #tpu.memory_space<vmem>>, vector<128x256xf32>
    %convert_element_type3A_62 = arith.truncf %max3A_58 : vector<1632x128xf32> to vector<1632x128xbf16>
    %convert_element_type3A_63 = arith.truncf %get3A_61 : vector<128x256xf32> to vector<128x256xbf16>
    %dot_general3A_64 = arith.constant dense<0.000000e+00> : vector<1632x256xf32>
    %dot_general3A_65 = tpu.matmul %convert_element_type3A_62, %convert_element_type3A_63, %dot_general3A_64 {dimension_numbers = #tpu.dot_dimension_numbers<[1], [0], [0], [1], [0, 0, 1, 1], [], []>, transpose_lhs_hint = false} : vector<1632x128xbf16>, vector<128x256xbf16>, vector<1632x256xf32> -> vector<1632x256xf32>
    %get3A_66 = arith.constant 0 : index
    %get3A_67 = arith.constant 0 : index
    %get3A_68 = vector.load %arg12[%get3A_66, %get3A_67] : memref<1x256xf32, #tpu.memory_space<vmem>>, vector<1x256xf32>
    %add3A_69 = vector.broadcast %get3A_68 : vector<1x256xf32> to vector<1632x256xf32>
    %add3A_70 = arith.addf %dot_general3A_65, %add3A_69 : vector<1632x256xf32>
    %max3A_71 = arith.constant 0.000000e+00 : f32
    %max3A_72 = vector.broadcast %max3A_71 : f32 to vector<1632x256xf32>
    %max3A_73 = arith.maximumf %add3A_70, %max3A_72 : vector<1632x256xf32>
    %get3A_74 = arith.constant 0 : index
    %get3A_75 = arith.constant 0 : index
    %get3A_76 = vector.load %arg13[%get3A_74, %get3A_75] : memref<256x4xf32, #tpu.memory_space<vmem>>, vector<256x4xf32>
    %dot_general3A_77 = arith.constant dense<0.000000e+00> : vector<1632x4xf32>
    %dot_general3A_78 = tpu.matmul %max3A_73, %get3A_76, %dot_general3A_77 {dimension_numbers = #tpu.dot_dimension_numbers<[1], [0], [0], [1], [0, 0, 1, 1], [], []>, precision = #tpu.contract_precision<fp32>, transpose_lhs_hint = false} : vector<1632x256xf32>, vector<256x4xf32>, vector<1632x4xf32> -> vector<1632x4xf32>
    %get3A_79 = arith.constant 0 : index
    %get3A_80 = arith.constant 0 : index
    %get3A_81 = vector.load %arg14[%get3A_79, %get3A_80] : memref<1x1xf32, #tpu.memory_space<vmem>>, vector<1x1xf32>
    %get3A_82 = vector.extract %get3A_81[0, 0] : f32 from vector<1x1xf32>
    %add3A_83 = vector.broadcast %get3A_82 : f32 to vector<1632x4xf32>
    %add3A_84 = arith.addf %dot_general3A_78, %add3A_83 : vector<1632x4xf32>
    %reshape3A_85 = vector.shape_cast %add3A_84 : vector<1632x4xf32> to vector<4x408x4xf32>
    %swap3A = arith.constant 0 : index
    %swap3A_86 = arith.constant 0 : index
    %swap3A_87 = arith.constant 0 : index
    %swap3A_88 = vector.load %arg15[%swap3A, %swap3A_86, %swap3A_87] : memref<4x408x4xf32, #tpu.memory_space<vmem>>, vector<4x408x4xf32>
    tpu.vector_store %arg15[%swap3A, %swap3A_86, %swap3A_87], %reshape3A_85 {strides = array<i32>} : memref<4x408x4xf32, #tpu.memory_space<vmem>>, vector<4x408x4xf32>,
    %reshape3A_89 = vector.shape_cast %get3A_5 : vector<1632x512xf32> to vector<4x408x512xf32>
    %slice3A = vector.extract_strided_slice %reshape3A_89 {offsets = [0, 0, 0], sizes = [1, 408, 512], strides = [1, 1, 1]} : vector<4x408x512xf32> to vector<1x408x512xf32>
    %squeeze3A = vector.shape_cast %slice3A : vector<1x408x512xf32> to vector<408x512xf32>
    %transpose3A = tpu.transpose %squeeze3A, [1, 0] : vector<408x512xf32> -> vector<512x408xf32>
    %swap3A_90 = arith.constant 0 : index
    %swap3A_91 = arith.constant 0 : index
    %swap3A_92 = arith.constant 0 : index
    %swap3A_93 = vector.load %arg16[%swap3A_90, %swap3A_91, %swap3A_92] : memref<4x512x408xf32, #tpu.memory_space<vmem>>, vector<1x512x408xf32>
    %swap3A_94 = vector.shape_cast %swap3A_93 : vector<1x512x408xf32> to vector<512x408xf32>
    %swap3A_95 = vector.shape_cast %transpose3A : vector<512x408xf32> to vector<1x512x408xf32>
    tpu.vector_store %arg16[%swap3A_90, %swap3A_91, %swap3A_92], %swap3A_95 {strides = array<i32>} : memref<4x512x408xf32, #tpu.memory_space<vmem>>, vector<1x512x408xf32>,
    %slice3A_96 = vector.extract_strided_slice %reshape3A_89 {offsets = [1, 0, 0], sizes = [1, 408, 512], strides = [1, 1, 1]} : vector<4x408x512xf32> to vector<1x408x512xf32>
    %squeeze3A_97 = vector.shape_cast %slice3A_96 : vector<1x408x512xf32> to vector<408x512xf32>
    %transpose3A_98 = tpu.transpose %squeeze3A_97, [1, 0] : vector<408x512xf32> -> vector<512x408xf32>
    %swap3A_99 = arith.constant 1 : index
    %swap3A_100 = arith.constant 0 : index
    %swap3A_101 = arith.constant 0 : index
    %swap3A_102 = vector.load %arg16[%swap3A_99, %swap3A_100, %swap3A_101] : memref<4x512x408xf32, #tpu.memory_space<vmem>>, vector<1x512x408xf32>
    %swap3A_103 = vector.shape_cast %swap3A_102 : vector<1x512x408xf32> to vector<512x408xf32>
    %swap3A_104 = vector.shape_cast %transpose3A_98 : vector<512x408xf32> to vector<1x512x408xf32>
    tpu.vector_store %arg16[%swap3A_99, %swap3A_100, %swap3A_101], %swap3A_104 {strides = array<i32>} : memref<4x512x408xf32, #tpu.memory_space<vmem>>, vector<1x512x408xf32>,
    %slice3A_105 = vector.extract_strided_slice %reshape3A_89 {offsets = [2, 0, 0], sizes = [1, 408, 512], strides = [1, 1, 1]} : vector<4x408x512xf32> to vector<1x408x512xf32>
    %squeeze3A_106 = vector.shape_cast %slice3A_105 : vector<1x408x512xf32> to vector<408x512xf32>
    %transpose3A_107 = tpu.transpose %squeeze3A_106, [1, 0] : vector<408x512xf32> -> vector<512x408xf32>
    %swap3A_108 = arith.constant 2 : index
    %swap3A_109 = arith.constant 0 : index
    %swap3A_110 = arith.constant 0 : index
    %swap3A_111 = vector.load %arg16[%swap3A_108, %swap3A_109, %swap3A_110] : memref<4x512x408xf32, #tpu.memory_space<vmem>>, vector<1x512x408xf32>
    %swap3A_112 = vector.shape_cast %swap3A_111 : vector<1x512x408xf32> to vector<512x408xf32>
    %swap3A_113 = vector.shape_cast %transpose3A_107 : vector<512x408xf32> to vector<1x512x408xf32>
    tpu.vector_store %arg16[%swap3A_108, %swap3A_109, %swap3A_110], %swap3A_113 {strides = array<i32>} : memref<4x512x408xf32, #tpu.memory_space<vmem>>, vector<1x512x408xf32>,
    %slice3A_114 = vector.extract_strided_slice %reshape3A_89 {offsets = [3, 0, 0], sizes = [1, 408, 512], strides = [1, 1, 1]} : vector<4x408x512xf32> to vector<1x408x512xf32>
    %squeeze3A_115 = vector.shape_cast %slice3A_114 : vector<1x408x512xf32> to vector<408x512xf32>
    %transpose3A_116 = tpu.transpose %squeeze3A_115, [1, 0] : vector<408x512xf32> -> vector<512x408xf32>
    %swap3A_117 = arith.constant 3 : index
    %swap3A_118 = arith.constant 0 : index
    %swap3A_119 = arith.constant 0 : index
    %swap3A_120 = vector.load %arg16[%swap3A_117, %swap3A_118, %swap3A_119] : memref<4x512x408xf32, #tpu.memory_space<vmem>>, vector<1x512x408xf32>
    %swap3A_121 = vector.shape_cast %swap3A_120 : vector<1x512x408xf32> to vector<512x408xf32>
    %swap3A_122 = vector.shape_cast %transpose3A_116 : vector<512x408xf32> to vector<1x512x408xf32>
    tpu.vector_store %arg16[%swap3A_117, %swap3A_118, %swap3A_119], %swap3A_122 {strides = array<i32>} : memref<4x512x408xf32, #tpu.memory_space<vmem>>, vector<1x512x408xf32>,
    %sub3A = arith.subf %reshape3A, %add3A_84 : vector<1632x4xf32>
    %integer_pow3A = arith.mulf %sub3A, %sub3A : vector<1632x4xf32>
    %reduce_sum3A = vector.shape_cast %integer_pow3A : vector<1632x4xf32> to vector<1x1632x4xf32>
    %reduce_sum3A_123 = arith.constant dense<0.000000e+00> : vector<1xf32>
    %reduce_sum3A_124 = vector.multi_reduction <add>, %reduce_sum3A, %reduce_sum3A_123 [1, 2] : vector<1x1632x4xf32> to vector<1xf32>
    %reduce_sum3A_125 = vector.shape_cast %reduce_sum3A_124 : vector<1xf32> to vector<1x1x1xf32>
    %reduce_sum3A_126 = vector.extract %reduce_sum3A_125[0, 0, 0] : f32 from vector<1x1x1xf32>
    %sub3A_127 = arith.subf %get3A_5, %add3A_43 : vector<1632x512xf32>
    %integer_pow3A_128 = arith.mulf %sub3A_127, %sub3A_127 : vector<1632x512xf32>
    %reduce_sum3A_129 = vector.shape_cast %integer_pow3A_128 : vector<1632x512xf32> to vector<1x1632x512xf32>
    %reduce_sum3A_130 = arith.constant dense<0.000000e+00> : vector<1xf32>
    %reduce_sum3A_131 = vector.multi_reduction <add>, %reduce_sum3A_129, %reduce_sum3A_130 [1, 2] : vector<1x1632x512xf32> to vector<1xf32>
    %reduce_sum3A_132 = vector.shape_cast %reduce_sum3A_131 : vector<1xf32> to vector<1x1x1xf32>
    %reduce_sum3A_133 = vector.extract %reduce_sum3A_132[0, 0, 0] : f32 from vector<1x1x1xf32>
    %eq3A = arith.constant 0 : i32
    %eq3A_134 = arith.cmpi eq, %arg0, %eq3A : i32
    %get3A_135 = arith.constant 0 : index
    %get3A_136 = arith.constant 0 : index
    %get3A_137 = memref.load %arg17[%get3A_135, %get3A_136] : memref<1x1xf32, #tpu.memory_space<smem>>
    %jit3A = arith.constant 0.000000e+00 : f32
    %select_n3A = arith.select %eq3A_134, %jit3A, %get3A_137 : f32
    %eq3A_138 = arith.constant 0 : i32
    %eq3A_139 = arith.cmpi eq, %arg0, %eq3A_138 : i32
    %get3A_140 = arith.constant 0 : index
    %get3A_141 = arith.constant 0 : index
    %get3A_142 = memref.load %arg18[%get3A_140, %get3A_141] : memref<1x1xf32, #tpu.memory_space<smem>>
    %jit3A_143 = arith.constant 0.000000e+00 : f32
    %select_n3A_144 = arith.select %eq3A_139, %jit3A_143, %get3A_142 : f32
    %eq3A_145 = arith.constant 15 : i32
    %eq3A_146 = arith.cmpi eq, %arg0, %eq3A_145 : i32
    %add3A_147 = arith.addf %select_n3A, %reduce_sum3A_126 : f32
    %div3A = arith.constant 1.044480e+05 : f32
    %div3A_148 = arith.divf %add3A_147, %div3A : f32
    %add3A_149 = arith.addf %select_n3A, %reduce_sum3A_126 : f32
    %select_n3A_150 = arith.select %eq3A_146, %div3A_148, %add3A_149 : f32
    %swap3A_151 = arith.constant 0 : index
    %swap3A_152 = arith.constant 0 : index
    %swap3A_153 = memref.load %arg17[%swap3A_151, %swap3A_152] : memref<1x1xf32, #tpu.memory_space<smem>>
    memref.store %select_n3A_150, %arg17[%swap3A_151, %swap3A_152] : memref<1x1xf32, #tpu.memory_space<smem>>
    %add3A_154 = arith.addf %select_n3A_144, %reduce_sum3A_133 : f32
    %div3A_155 = arith.constant 0x4B4C0000 : f32
    %div3A_156 = arith.divf %add3A_154, %div3A_155 : f32
    %add3A_157 = arith.addf %select_n3A_144, %reduce_sum3A_133 : f32
    %select_n3A_158 = arith.select %eq3A_146, %div3A_156, %add3A_157 : f32
    %swap3A_159 = arith.constant 0 : index
    %swap3A_160 = arith.constant 0 : index
    %swap3A_161 = memref.load %arg18[%swap3A_159, %swap3A_160] : memref<1x1xf32, #tpu.memory_space<smem>>
    memref.store %select_n3A_158, %arg18[%swap3A_159, %swap3A_160] : memref<1x1xf32, #tpu.memory_space<smem>>
    return
  }
  func.func @transform_0(%arg0: i32) -> (i32, i32, i32) {
    %c0_i32 = arith.constant 0 : i32
    %c0_i32_0 = arith.constant 0 : i32
    %c0_i32_1 = arith.constant 0 : i32
    return %arg0, %c0_i32, %c0_i32_0 : i32, i32, i32
  }
  func.func @transform_1(%arg0: i32) -> (i32, i32) {
    %c0_i32 = arith.constant 0 : i32
    %c0_i32_0 = arith.constant 0 : i32
    return %arg0, %c0_i32 : i32, i32
  }
  func.func @transform_2(%arg0: i32) -> (i32, i32) {
    %c0_i32 = arith.constant 0 : i32
    %c0_i32_0 = arith.constant 0 : i32
    %c0_i32_1 = arith.constant 0 : i32
    return %c0_i32, %c0_i32_0 : i32, i32
  }
  func.func @transform_3(%arg0: i32) -> (i32, i32) {
    %c0_i32 = arith.constant 0 : i32
    %c0_i32_0 = arith.constant 0 : i32
    %c0_i32_1 = arith.constant 0 : i32
    return %c0_i32, %c0_i32_0 : i32, i32
  }
  func.func @transform_4(%arg0: i32) -> (i32, i32) {
    %c0_i32 = arith.constant 0 : i32
    %c0_i32_0 = arith.constant 0 : i32
    %c0_i32_1 = arith.constant 0 : i32
    return %c0_i32, %c0_i32_0 : i32, i32
  }
  func.func @transform_5(%arg0: i32) -> (i32, i32) {
    %c0_i32 = arith.constant 0 : i32
    %c0_i32_0 = arith.constant 0 : i32
    %c0_i32_1 = arith.constant 0 : i32
    return %c0_i32, %c0_i32_0 : i32, i32
  }
  func.func @transform_6(%arg0: i32) -> (i32, i32) {
    %c0_i32 = arith.constant 0 : i32
    %c0_i32_0 = arith.constant 0 : i32
    %c0_i32_1 = arith.constant 0 : i32
    return %c0_i32, %c0_i32_0 : i32, i32
  }
  func.func @transform_7(%arg0: i32) -> (i32, i32) {
    %c0_i32 = arith.constant 0 : i32
    %c0_i32_0 = arith.constant 0 : i32
    %c0_i32_1 = arith.constant 0 : i32
    return %c0_i32, %c0_i32_0 : i32, i32
  }
  func.func @transform_8(%arg0: i32) -> (i32, i32) {
    %c0_i32 = arith.constant 0 : i32
    %c0_i32_0 = arith.constant 0 : i32
    %c0_i32_1 = arith.constant 0 : i32
    return %c0_i32, %c0_i32_0 : i32, i32
  }
  func.func @transform_9(%arg0: i32) -> (i32, i32) {
    %c0_i32 = arith.constant 0 : i32
    %c0_i32_0 = arith.constant 0 : i32
    %c0_i32_1 = arith.constant 0 : i32
    return %c0_i32, %c0_i32_0 : i32, i32
  }
  func.func @transform_10(%arg0: i32) -> (i32, i32) {
    %c0_i32 = arith.constant 0 : i32
    %c0_i32_0 = arith.constant 0 : i32
    %c0_i32_1 = arith.constant 0 : i32
    return %c0_i32, %c0_i32_0 : i32, i32
  }
  func.func @transform_11(%arg0: i32) -> (i32, i32) {
    %c0_i32 = arith.constant 0 : i32
    %c0_i32_0 = arith.constant 0 : i32
    %c0_i32_1 = arith.constant 0 : i32
    return %c0_i32, %c0_i32_0 : i32, i32
  }
  func.func @transform_12(%arg0: i32) -> (i32, i32) {
    %c0_i32 = arith.constant 0 : i32
    %c0_i32_0 = arith.constant 0 : i32
    %c0_i32_1 = arith.constant 0 : i32
    return %c0_i32, %c0_i32_0 : i32, i32
  }
  func.func @transform_13(%arg0: i32) -> (i32, i32) {
    %c0_i32 = arith.constant 0 : i32
    %c0_i32_0 = arith.constant 0 : i32
    %c0_i32_1 = arith.constant 0 : i32
    return %c0_i32, %c0_i32_0 : i32, i32
  }
  func.func @transform_14(%arg0: i32) -> (i32, i32, i32) {
    %c0_i32 = arith.constant 0 : i32
    %c0_i32_0 = arith.constant 0 : i32
    %c0_i32_1 = arith.constant 0 : i32
    return %arg0, %c0_i32, %c0_i32_0 : i32, i32, i32
  }
  func.func @transform_15(%arg0: i32) -> (i32, i32, i32) {
    %c0_i32 = arith.constant 0 : i32
    %c0_i32_0 = arith.constant 0 : i32
    %c0_i32_1 = arith.constant 0 : i32
    return %arg0, %c0_i32, %c0_i32_0 : i32, i32, i32
  }
  func.func @transform_16(%arg0: i32) -> (i32, i32) {
    %c0_i32 = arith.constant 0 : i32
    %c0_i32_0 = arith.constant 0 : i32
    %c0_i32_1 = arith.constant 0 : i32
    return %c0_i32, %c0_i32_0 : i32, i32
  }
  func.func @transform_17(%arg0: i32) -> (i32, i32) {
    %c0_i32 = arith.constant 0 : i32
    %c0_i32_0 = arith.constant 0 : i32
    %c0_i32_1 = arith.constant 0 : i32
    return %c0_i32, %c0_i32_0 : i32, i32
  }
}

</mosaic_0001>

<sc_bundles>
// kernel: kernel.5.cloned.1.call-start
scs
__scs_entry_jumppad:
0x0: {  	(pc) =	sbr.rel $0x88, $3  }
0x1: {  	(tag) =	ssettag $0x0;
	lr =	simm.s32 $0x1  }
0x2: {  	[smem:$0x3F93] =	sst lr;
	_ =	strace $0xD0000000  }
0x3: {  	_ = 	snop  }
0x4: {  	_ = 	snop  }
0x5: {  	_ = 	snop  }
0x6: {  	_ = 	snop  }
0x7: {  	_ = 	snop  }
__scs_overlays_trampoline_lowered:
0x8: {  	[smem:$0x3FA2] =	sst s0  }
0x9: {  	[smem:$0x3FA3] =	sst s1  }
0xa: {  	[smem:$0x3FA4] =	sst s2  }
0xb: {  	[smem:$0x3FA5] =	sst s3  }
0xc: {  	[smem:$0x3FA6] =	sst s4  }
0xd: {  	[smem:$0x3FA7] =	sst s5  }
0xe: {  	[smem:$0x3FA8] =	sst s6  }
0xf: {  	[smem:$0x3FA9] =	sst s7  }
0x10: {  	[smem:$0x3FAA] =	sst s8  }
0x11: {  	[smem:$0x3FAB] =	sst s9;
	s0 =	simm.s32 @!p0 $0x0  }
0x12: {  	s1 =	sld [smem:$0x3F91];
	s0 =	simm.s32 @p0 $0x1  }
0x13: {  	[smem:$0x3FAC] =	sst s0;
	s0 =	simm.s32 @!p1 $0x0  }
0x14: {  	s2 =	sld [smem:$0x3F90];
	s0 =	simm.s32 @p1 $0x1  }
0x15: {  	[smem:$0x3FAD] =	sst s0;
	s0 =	simm.s32 @!p2 $0x0  }
0x16: {  	s3 =	sld [smem:$0x3FDB];
	s0 =	simm.s32 @p2 $0x1  }
0x17: {  	s4 =	simm.s32 $0x1BF5;
	[smem:$0x3FAF] =	sst s0  }
0x18: {  	s0 =	sld [smem:$0x3F92];
	_ =	swait.ge [sflag:s4], $0x0  }
0x19: {  	s7 =	sld [smem:$0x3F93]  }
0x1a: {  	s8 =	sadd.s32 $0xFFFFE003, lr  }
0x1b: {  	s9 =	sadd.s32 $0xFFFFFEF7, lr;
	s5 =	simm.s32 $0xFFFFFFFF;
	p2 =	slt.u32 s8, $0xFFFFF086  }
0x1c: {  	p1 =	slt.u32 s9, $0xF7A;
	s5 =	simm.s32 @!p2 $0x0  }
0x1d: {  	s5 =	simm.s32 @p1 $0x1;
	p0 =	seq.s32 s7, s2  }
0x1e: {  	s7 =	smul.u32 @!p0 $0xF7A, s2;
	p2 =	seq.s32 @!p0 s5, $0x0  }
0x1f: {  	s9 =	smul.u32 $0xF7A, s1;
	s8 =	simm.s32 @!p0 $0x1BF5;
	p2 =	por !p2, p0  }
0x20: {  	[sflag:s8] =	ssyncset.s32 @!p0 $0xFFFFF086;
	s6 =	sadd.s32 @!p0 s3, s7;
	s7 =	simm.s32 @!p0 $0x108  }
0x21: {  	s3 =	sadd.s32 s3, s9;
	s6 =	sadd.s32 @!p0 $0x88, s6;
	s7 =	simm.s32 @p2 $0x1082  }
0x22: {  	[simem:s7], [sflag:s8] =	dma.local @!p0 [hbm:s6], $0xF7A  }
0x23: {  	s9 =	sor.u32 $0xD0000000, s2;
	s6 =	simm.s32 $0x108;
	_ =	swait.ge @!p0 [sflag:s8], $0x0  }
0x24: {  	s3 =	sadd.s32 $0x88, s3;
	s6 =	simm.s32 @!p1 $0x1082;
	[sflag:s4] =	ssyncset.s32 $0xFFFFF086  }
0x25: {  	[simem:s6], [sflag:s4] =	dma.local [hbm:s3], $0xF7A  }
0x26: {  	[smem:$0x3F93] =	sst s1;
	(tag) =	ssettag s2;
	_ =	strace s9  }
0x27: {  	s1 =	sld [smem:$0x3FA3]  }
0x28: {  	s2 =	sld [smem:$0x3FA4]  }
0x29: {  	s4 =	sld [smem:$0x3FA6]  }
0x2a: {  	p0 =	seq.s32 s5, $0x0;
	s5 =	sld [smem:$0x3FA7]  }
0x2b: {  	s6 =	sld [smem:$0x3FA8]  }
0x2c: {  	s7 =	sld [smem:$0x3FA9]  }
0x2d: {  	s3 =	simm.s32 $0x108;
	s8 =	sld [smem:$0x3FAA]  }
0x2e: {  	s3 =	simm.s32 @!p0 $0x1082;
	s9 =	sld [smem:$0x3FAB]  }
0x2f: {  	lr =	sadd.s32 s0, s3;
	s0 =	sld [smem:$0x3FA2]  }
0x30: {  	s3 =	sld [smem:$0x3FA5]  }
0x31: {  	[smem:$0x3FAE] =	sst s10  }
0x32: {  	s10 =	sld [smem:$0x3FAC];
	_ =	sdelay $0x3  }
0x33: {  	p0 =	seq.s32 s10, $0x1;
	s10 =	sld [smem:$0x3FAE];
	_ =	sdelay $0x3  }
0x34: {  	[smem:$0x3FAE] =	sst s10  }
0x35: {  	s10 =	sld [smem:$0x3FAD];
	_ =	sdelay $0x3  }
0x36: {  	p1 =	seq.s32 s10, $0x1;
	s10 =	sld [smem:$0x3FAE];
	_ =	sdelay $0x3  }
0x37: {  	[smem:$0x3FAE] =	sst s10  }
0x38: {  	s10 =	sld [smem:$0x3FAF]  }
0x39: {  	_ = 	snop;
	(pc) =	sbr.ind lr, $3  }
0x3a: {  	_ = 	snop  }
0x3b: {  	_ = 	snop  }
0x3c: {  	p2 =	seq.s32 s10, $0x1;
	s10 =	sld [smem:$0x3FAE]  }
0x3d: {  	_ =	shalt  }
0x3e: {  	_ =	shalt  }
0x3f: {  	_ =	shalt  }
0x40: {  	_ =	shalt  }
0x41: {  	_ =	shalt  }
0x42: {  	_ =	shalt  }
0x43: {  	_ =	shalt  }
0x44: {  	_ =	shalt  }
0x45: {  	_ =	shalt  }
0x46: {  	_ =	shalt  }
0x47: {  	_ =	shalt  }
0x48: {  	_ =	shalt  }
0x49: {  	_ =	shalt  }
0x4a: {  	_ =	shalt  }
0x4b: {  	_ =	shalt  }
0x4c: {  	_ =	shalt  }
0x4d: {  	_ =	shalt  }
0x4e: {  	_ =	shalt  }
0x4f: {  	_ =	shalt  }
0x50: {  	_ =	shalt  }
0x51: {  	_ =	shalt  }
0x52: {  	_ =	shalt  }
0x53: {  	_ =	shalt  }
0x54: {  	_ =	shalt  }
0x55: {  	_ =	shalt  }
0x56: {  	_ =	shalt  }
0x57: {  	_ =	shalt  }
0x58: {  	_ =	shalt  }
0x59: {  	_ =	shalt  }
0x5a: {  	_ =	shalt  }
0x5b: {  	_ =	shalt  }
0x5c: {  	_ =	shalt  }
0x5d: {  	_ =	shalt  }
0x5e: {  	_ =	shalt  }
0x5f: {  	_ =	shalt  }
0x60: {  	_ =	shalt  }
0x61: {  	_ =	shalt  }
0x62: {  	_ =	shalt  }
0x63: {  	_ =	shalt  }
0x64: {  	_ =	shalt  }
0x65: {  	_ =	shalt  }
0x66: {  	_ =	shalt  }
0x67: {  	_ =	shalt  }
0x68: {  	_ =	shalt  }
0x69: {  	_ =	shalt  }
0x6a: {  	_ =	shalt  }
0x6b: {  	_ =	shalt  }
0x6c: {  	_ =	shalt  }
0x6d: {  	_ =	shalt  }
0x6e: {  	_ =	shalt  }
0x6f: {  	_ =	shalt  }
0x70: {  	_ =	shalt  }
0x71: {  	_ =	shalt  }
0x72: {  	_ =	shalt  }
0x73: {  	_ =	shalt  }
0x74: {  	_ =	shalt  }
0x75: {  	_ =	shalt  }
0x76: {  	_ =	shalt  }
0x77: {  	_ =	shalt  }
0x78: {  	_ =	shalt  }
0x79: {  	_ =	shalt  }
0x7a: {  	_ =	shalt  }
0x7b: {  	_ =	shalt  }
0x7c: {  	_ =	shalt  }
0x7d: {  	_ =	shalt  }
0x7e: {  	_ =	shalt  }
0x7f: {  	_ =	shalt  }
0x80: {  	_ =	shalt  }
0x81: {  	_ =	shalt  }
0x82: {  	_ =	shalt  }
0x83: {  	_ =	shalt  }
0x84: {  	_ =	shalt  }
0x85: {  	_ =	shalt  }
0x86: {  	_ =	shalt  }
0x87: {  	_ =	shalt  }
.Lfunc_end0:
.L_simem_size_0:
called_computation_lowered:
.L_overlay_start_0:
0x88: {  	s2 =	sld [smem:$0x3FD9]  }
0x89: {  	s3 =	sld [smem:$0x3FFE];
	_ =	sdelay $0x1  }
0x8a: {  	s1 =	srdreg.scid  }
0x8b: {  	s0 =	sand.u32 $0x1, s1  }
0x8c: {  	s14 =	sshll.u32 s0, $0xA;
	s2 =	sadd.s32 s3, s2  }
0x8d: {  	s2 =	sadd.s32 s2, s14  }
0x8e: {  	[smem:$0x3FBA] =	sst s2  }
0x8f: {  	_ = 	snop  }
0x90: {  	s2 =	sld [smem:$0x3FD0];
	_ =	sdelay $0x2  }
0x91: {  	s15 =	simm.s32 $0xA;
	s4 =	simm.s32 $0x10  }
0x92: {  	[smem:s4], [sflag:s15] =	dma.local [hbm:s2], $0x1  }
0x93: {  	_ =	swait.eq [sflag:s15], $0x1  }
0x94: {  	[sflag:s15] =	ssyncset.done $0x0  }
0x95: {  	s16 =	sld [smem:$0x10];
	[sflag:s15] =	ssyncadd.s32 $0xFFFFFFFF  }
0x96: {  	s17 =	sld [smem:$0x14];
	(tm) =	ssettm $0x1  }
0x97: {  	s18 =	sld [smem:$0x3FFB];
	_ =	sdelay $0x3  }
0x98: {  	_ =	strace s18  }
0x99: {  	s4 =	sld [smem:$0x3FFC];
	_ =	sdelay $0x3  }
0x9a: {  	_ =	strace s4  }
0x9b: {  	s4 =	sld [smem:$0x3FFD];
	_ =	sdelay $0x3  }
0x9c: {  	_ =	strace s4  }
0x9d: {  	_ =	strace $0x8FFFFFFF  }
0x9e: {  	s19 =	sld [smem:$0x3FDB];
	_ =	sdelay $0x1  }
0x9f: {  	s5 =	simm.s32 $_scs_section_size  }
0xa0: {  	s6 =	simm.s32 $_size__tile_overlayer_lowered;
	s7 =	simm.s32 $_tile_overlayer_lowered  }
0xa1: {  	s22 =	simm.s32 $0x1BFF;
	s21 =	sshll.u32 s7, $0x1;
	s4 =	sadd.s32 s5, s19  }
0xa2: {  	s8 =	simm.s32 $0x0;
	s20 =	sshll.u32 s6, $0x1;
	s6 =	sadd.s32 s21, s4  }
0xa3: {  	[timem:s8], [sflag:s22] =	dma.local [hbm:s6], s20  }
0xa4: {  	_ =	swait.ge [sflag:s22], s20  }
0xa5: {  	s5 =	ssub.s32 $0x0, s20;
	[sflag:s22] =	ssyncset.done $0x0  }
0xa6: {  	[sflag:s22] =	ssyncadd.s32 s5;
	_ =	sdelay $0x1  }
0xa7: {  	s23 =	simm.s32 $0x1B8B  }
0xa8: {  	_ =	swait.ge [sflag:s23], $0x1  }
0xa9: {  	[sflag:s23] =	ssyncset.done $0x0  }
0xaa: {  	s25 =	simm.s32 $0x1B8E;
	s24 =	sld [smem:$0x3FFE];
	[sflag:s23] =	ssyncadd.s32 $0xFFFFFFFF  }
0xab: {  	s26 =	simm.s32 $execute0_lowered;
	[smem:$0x3FD2] =	sst s25  }
0xac: {  	s6 =	sshll.u32 s26, $0x1;
	_ =	strace $0x80000046;
	[dreg:$0x1] =	wrdreg $0xFFFFFFFF  }
0xad: {  	s28 =	simm.s32 $_size_execute0_lowered;
	s4 =	sadd.s32 s4, s6;
	[dreg:$0x0] =	wrdreg $0x0  }
0xae: {  	s6 =	sshll.u32 s28, $0x1;
	[dreg:$0x2] =	wrdreg s4  }
0xaf: {  	[dreg:$0x3] =	wrdreg s6  }
0xb0: {  	[dreg:$0x4] =	wrdreg $0xC0  }
0xb1: {  	_ =	task [dreg:s8], $0x5FFFF  }
0xb2: {  	[dreg:$0x1] =	wrdreg $0xFFFFFFFF  }
0xb3: {  	[dreg:$0x0] =	wrdreg $0x60  }
0xb4: {  	[dreg:$0x2] =	wrdreg s17  }
0xb5: {  	[dreg:$0x3] =	wrdreg s16  }
0xb6: {  	[dreg:$0x4] =	wrdreg s24  }
0xb7: {  	[dreg:$0x5] =	wrdreg $0x9  }
0xb8: {  	_ =	task.clear_ibuf [dreg:s8], $0x6FFFF;
	_ =	strace $0x90000046  }
0xb9: {  	s29 =	simm.s32 $0x9;
	_ =	strace $0x80000048  }
0xba: {  	_ =	swait.ge [sflag:s29], $0x1  }
0xbb: {  	[sflag:s29] =	ssyncadd.s32 $0xFFFFFFFF  }
0xbc: {  	_ =	strace $0x90000048  }
0xbd: {  	_ =	sfence  }
0xbe: {  	s30 =	sld [smem:$0x0];
	_ =	sdelay $0x2  }
0xbf: {  	s31 =	sshll.u32 s1, $0xD;
	s1 =	sshrl.u32 s1, $0x2  }
0xc0: {  	s3 =	sand.u32 $0x4000, s31;
	s1 =	sadd.s32 s1, s30  }
0xc1: {  	s0 =	sor.u32 s3, s0;
	s1 =	sshll.u32 s1, $0x11  }
0xc2: {  	s0 =	sor.u32 s1, s0  }
0xc3: {  	s0 =	sadd.s32 $0x8F2B, s0  }
0xc4: {  	[sflag:s0] =	ssyncadd.remote.s32 $0x1  }
0xc5: {  	_ =	sfence.sel $0xFFFF  }
0xc6: {  	[dreg:$0x0] =	wrdreg $0xFFFFFFFF;
	(pc) =	sbr.abs _section_cstart, $3  }
0xc7: {  	[dreg:$0x1] =	wrdreg $0xFFFFFFFF  }
0xc8: {  	_ =	task.clear_ibuf [dreg:s8], $0x2FFFF;
	_ =	strace $0x9FFFFFFF  }
0xc9: {  	(tm) =	ssettm $0x7FFFFFFF  }
tec
execute0_lowered:
.L_overlay_start_1:
0x0: {  	(tag) =	ssettag $0x1  }
0x1: {  	s3 =	rddreg [dreg:$0x0];
	s0 =	srdreg.scid  }
0x2: {  	s17 =	stileid.u32;
	s1 =	rddreg [dreg:$0x1]  }
0x3: {  	s4 =	rddreg [dreg:$0x2];
	s0 =	sand.u32 $0x1, s0;
	s2 =	sshll.u32 s17, $0x1  }
0x4: {  	s25 =	simm.s32 $0x60;
	s4 =	sadd.s32 $0x1A00, s4;
	s5 =	sor.u32 s0, s2  }
0x5: {  	s2 =	simm.s32 $0x0;
	s0 =	ssub.s32 $0x2, s0;
	s6 =	smul.u32 $0x66, s5  }
0x6: {  	[smem:$0x7FF] =	sst s2;
	s7 =	smul.u32 $0x66000, s5;
	s23 =	sshrl.u32 s0, $0x1  }
0x7: {  	s5 =	smul.u32 $0xCC00, s5;
	_ =	strace $0x80000047;
	s0 =	ssub.s32 s0, s23  }
0x8: {  	[dreg:$0x16] =	wrdreg s25;
	s1 =	sadd.s32 s1, s6;
	s26 =	sshrl.u32 s7, $0x3  }
0x9: {  	s5 =	sadd.s32 s4, s5;
	s0 =	smax.u32 s0, $0x1;
	[dreg:$0x4] =	wrdreg s1  }
0xa: {  	s4 =	sadd.s32 s4, s26;
	[dreg:$0x5] =	wrdreg s5;
	s26 =	simm.s32 $0x90  }
0xb: {  	p1 =	sne.s32 s0, $0x1;
	[dreg:$0x17] =	wrdreg s26  }
0xc: {  	s1 =	sadd.s32 $0xFFFFFFFF, s0;
	s7 =	sadd.s32 $0xC00, s4;
	s0 =	rddreg [dreg:$0x4]  }
0xd: {  	s8 =	sadd.s32 $0x1800, s4;
	[dreg:$0x6] =	wrdreg s7  }
0xe: {  	s9 =	sadd.s32 $0x2400, s4;
	[dreg:$0x7] =	wrdreg s8  }
0xf: {  	s10 =	sadd.s32 $0x3000, s4;
	[dreg:$0x8] =	wrdreg s9  }
0x10: {  	s11 =	sadd.s32 $0x3C00, s4;
	[dreg:$0x9] =	wrdreg s10  }
0x11: {  	s31 =	simm.s32 $0x9;
	s12 =	sadd.s32 $0x4800, s4;
	[dreg:$0xa] =	wrdreg s11  }
0x12: {  	s30 =	simm.s32 $0xF0;
	s13 =	sadd.s32 $0x5400, s4;
	[dreg:$0xb] =	wrdreg s12  }
0x13: {  	s29 =	simm.s32 $0x120;
	s14 =	sadd.s32 $0x6000, s4;
	[dreg:$0xc] =	wrdreg s13  }
0x14: {  	s28 =	simm.s32 $0x150;
	s15 =	sadd.s32 $0x6C00, s4;
	[dreg:$0xd] =	wrdreg s14  }
0x15: {  	p0 =	por $0x0, $0x0;
	s16 =	sadd.s32 $0x7800, s4;
	[dreg:$0xe] =	wrdreg s15  }
0x16: {  	s25 =	simm.s32 $0x1B0;
	s18 =	sadd.s32 $0x8400, s4;
	[dreg:$0xf] =	wrdreg s16  }
0x17: {  	s23 =	simm.s32 $0x210;
	s19 =	sadd.s32 $0x9000, s4;
	[dreg:$0x10] =	wrdreg s18  }
0x18: {  	s6 =	simm.s32 $0x1;
	s20 =	sadd.s32 $0x9C00, s4;
	[dreg:$0x11] =	wrdreg s19  }
0x19: {  	s5 =	simm.s32 $0x330;
	s21 =	sadd.s32 $0xA800, s4;
	[dreg:$0x12] =	wrdreg s20  }
0x1a: {  	s22 =	sadd.s32 $0xB400, s4;
	s24 =	sadd.s32 $0xC000, s4;
	[dreg:$0x13] =	wrdreg s21  }
0x1b: {  	s4 =	simm.s32 $0x5;
	s26 =	simm.s32 $0x180;
	[dreg:$0x14] =	wrdreg s22  }
0x1c: {  	[dreg:$0x15] =	wrdreg s24;
	s13 =	simm.s32 $0x30;
	s12 =	simm.s32 $0x6330  }
.Ltmp0:
0x1d: {  	s11 =	simm.s32 $0xC330;
	s10 =	simm.s32 $0x12330;
	(pc) =	sbr.rel @!p1 .LBB2_1-.Ltmp0, $4  }
0x1e: {  	s16 =	simm.s32 $0x2;
	s7 =	simm.s32 $0x6;
	s15 =	simm.s32 $0x3  }
0x1f: {  	s8 =	simm.s32 $0x7;
	s14 =	simm.s32 $0x4;
	s9 =	simm.s32 $0x8  }
0x20: {  	s24 =	simm.s32 $0x1E0;
	s22 =	simm.s32 $0x240;
	s21 =	simm.s32 $0x270  }
0x21: {  	s20 =	simm.s32 $0x2A0;
	s19 =	simm.s32 $0x2D0;
	s18 =	simm.s32 $0x300  }
0x22: {  	[tilespmem:s2], [sflag:$0x9] =	stream.linear.gather [hbm4b:s0+s2], $0x330, $0x38;
	[tilespmem:$0x18330] =	vst v63  }
0x23: {  	_ =	swait.ge [sflag:s31], $0x330  }
0x24: {  	[sflag:s31] =	ssyncset.done $0x0  }
0x25: {  	[sflag:s31] =	ssyncadd.s32 $0xFFFFFCD0  }
0x26: {  	[tilespmem:s5], [sflag:$0x1] =	stream.indirect.gather [hbm4b:s3+s13], $0x200, s2, s13, $0xb8;
	[tilespmem:$0x18330] =	vst v63  }
0x27: {  	_ = 	snop  }
0x28: {  	[tilespmem:s12], [sflag:$0x2] =	stream.indirect.gather [hbm4b:s3+s13], $0x200, s13, s13, $0xb8;
	[tilespmem:$0x18330] =	vst v63  }
0x29: {  	s0 =	rddreg [dreg:$0x16]  }
0x2a: {  	[tilespmem:s11], [sflag:$0x3] =	stream.indirect.gather [hbm4b:s3+s13], $0x200, s0, s13, $0xb8;
	[tilespmem:$0x18330] =	vst v63  }
0x2b: {  	s17 =	smov.u32 s1;
	s1 =	rddreg [dreg:$0x17]  }
0x2c: {  	[tilespmem:s10], [sflag:$0x4] =	stream.indirect.gather [hbm4b:s3+s13], $0x200, s1, s13, $0xb8;
	[tilespmem:$0x18330] =	vst v63  }
0x2d: {  	_ =	swait.ge [sflag:s6], $0x6000  }
0x2e: {  	[sflag:s6] =	ssyncset.done $0x0  }
0x2f: {  	s1 =	rddreg [dreg:$0x5];
	[sflag:s6] =	ssyncadd.s32 $0xFFFFA000  }
0x30: {  	[hbm4b:s1+s2] =	stream.linear.scatter [tilespmem:s5], [sflag:$0x5], $0x6000, $0x38;
	[tilespmem:$0x18330] =	vst v63  }
0x31: {  	_ =	swait.ge [sflag:s4], $0x6000  }
0x32: {  	[sflag:s4] =	ssyncset.done $0x0  }
0x33: {  	s1 =	simm.s32 $0xC0;
	[sflag:s4] =	ssyncadd.s32 $0xFFFFA000  }
0x34: {  	[tilespmem:s5], [sflag:$0x1] =	stream.indirect.gather [hbm4b:s3+s13], $0x200, s1, s13, $0xb8;
	[tilespmem:$0x18330] =	vst v63  }
0x35: {  	_ =	swait.ge [sflag:s16], $0x6000  }
0x36: {  	[sflag:s16] =	ssyncset.done $0x0  }
0x37: {  	s1 =	rddreg [dreg:$0x6];
	[sflag:s16] =	ssyncadd.s32 $0xFFFFA000  }
0x38: {  	[hbm4b:s1+s2] =	stream.linear.scatter [tilespmem:s12], [sflag:$0x6], $0x6000, $0x38;
	[tilespmem:$0x18330] =	vst v63  }
0x39: {  	_ =	swait.ge [sflag:s7], $0x6000  }
0x3a: {  	[sflag:s7] =	ssyncset.done $0x0  }
0x3b: {  	[sflag:s7] =	ssyncadd.s32 $0xFFFFA000  }
0x3c: {  	[tilespmem:s12], [sflag:$0x2] =	stream.indirect.gather [hbm4b:s3+s13], $0x200, s30, s13, $0xb8;
	[tilespmem:$0x18330] =	vst v63  }
0x3d: {  	_ =	swait.ge [sflag:s15], $0x6000  }
0x3e: {  	[sflag:s15] =	ssyncset.done $0x0  }
0x3f: {  	s1 =	rddreg [dreg:$0x7];
	[sflag:s15] =	ssyncadd.s32 $0xFFFFA000  }
0x40: {  	[hbm4b:s1+s2] =	stream.linear.scatter [tilespmem:s11], [sflag:$0x7], $0x6000, $0x38;
	[tilespmem:$0x18330] =	vst v63  }
0x41: {  	_ =	swait.ge [sflag:s8], $0x6000  }
0x42: {  	[sflag:s8] =	ssyncset.done $0x0  }
0x43: {  	[sflag:s8] =	ssyncadd.s32 $0xFFFFA000  }
0x44: {  	[tilespmem:s11], [sflag:$0x3] =	stream.indirect.gather [hbm4b:s3+s13], $0x200, s29, s13, $0xb8;
	[tilespmem:$0x18330] =	vst v63  }
0x45: {  	_ =	swait.ge [sflag:s14], $0x6000  }
0x46: {  	[sflag:s14] =	ssyncset.done $0x0  }
0x47: {  	s1 =	rddreg [dreg:$0x8];
	[sflag:s14] =	ssyncadd.s32 $0xFFFFA000  }
0x48: {  	[hbm4b:s1+s2] =	stream.linear.scatter [tilespmem:s10], [sflag:$0x8], $0x6000, $0x38;
	[tilespmem:$0x18330] =	vst v63  }
0x49: {  	_ =	swait.ge [sflag:s9], $0x6000  }
0x4a: {  	[sflag:s9] =	ssyncset.done $0x0  }
0x4b: {  	[sflag:s9] =	ssyncadd.s32 $0xFFFFA000  }
0x4c: {  	[tilespmem:s10], [sflag:$0x4] =	stream.indirect.gather [hbm4b:s3+s13], $0x200, s28, s13, $0xb8;
	[tilespmem:$0x18330] =	vst v63  }
0x4d: {  	_ =	swait.ge [sflag:s6], $0x6000  }
0x4e: {  	[sflag:s6] =	ssyncset.done $0x0  }
0x4f: {  	s1 =	rddreg [dreg:$0x9];
	[sflag:s6] =	ssyncadd.s32 $0xFFFFA000  }
0x50: {  	[hbm4b:s1+s2] =	stream.linear.scatter [tilespmem:s5], [sflag:$0x5], $0x6000, $0x38;
	[tilespmem:$0x18330] =	vst v63  }
0x51: {  	_ =	swait.ge [sflag:s4], $0x6000  }
0x52: {  	[sflag:s4] =	ssyncset.done $0x0  }
0x53: {  	[sflag:s4] =	ssyncadd.s32 $0xFFFFA000  }
0x54: {  	[tilespmem:s5], [sflag:$0x1] =	stream.indirect.gather [hbm4b:s3+s13], $0x200, s26, s13, $0xb8;
	[tilespmem:$0x18330] =	vst v63  }
0x55: {  	_ =	swait.ge [sflag:s16], $0x6000  }
0x56: {  	[sflag:s16] =	ssyncset.done $0x0  }
0x57: {  	s1 =	rddreg [dreg:$0xa];
	[sflag:s16] =	ssyncadd.s32 $0xFFFFA000  }
0x58: {  	[hbm4b:s1+s2] =	stream.linear.scatter [tilespmem:s12], [sflag:$0x6], $0x6000, $0x38;
	[tilespmem:$0x18330] =	vst v63  }
0x59: {  	_ =	swait.ge [sflag:s7], $0x6000  }
0x5a: {  	[sflag:s7] =	ssyncset.done $0x0  }
0x5b: {  	[sflag:s7] =	ssyncadd.s32 $0xFFFFA000  }
0x5c: {  	[tilespmem:s12], [sflag:$0x2] =	stream.indirect.gather [hbm4b:s3+s13], $0x200, s25, s13, $0xb8;
	[tilespmem:$0x18330] =	vst v63  }
0x5d: {  	_ =	swait.ge [sflag:s15], $0x6000  }
0x5e: {  	[sflag:s15] =	ssyncset.done $0x0  }
0x5f: {  	s1 =	rddreg [dreg:$0xb];
	[sflag:s15] =	ssyncadd.s32 $0xFFFFA000  }
0x60: {  	[hbm4b:s1+s2] =	stream.linear.scatter [tilespmem:s11], [sflag:$0x7], $0x6000, $0x38;
	[tilespmem:$0x18330] =	vst v63  }
0x61: {  	_ =	swait.ge [sflag:s8], $0x6000  }
0x62: {  	[sflag:s8] =	ssyncset.done $0x0  }
0x63: {  	[sflag:s8] =	ssyncadd.s32 $0xFFFFA000  }
0x64: {  	[tilespmem:s11], [sflag:$0x3] =	stream.indirect.gather [hbm4b:s3+s13], $0x200, s24, s13, $0xb8;
	[tilespmem:$0x18330] =	vst v63  }
0x65: {  	_ =	swait.ge [sflag:s14], $0x6000  }
0x66: {  	[sflag:s14] =	ssyncset.done $0x0  }
0x67: {  	s1 =	rddreg [dreg:$0xc];
	[sflag:s14] =	ssyncadd.s32 $0xFFFFA000  }
0x68: {  	[hbm4b:s1+s2] =	stream.linear.scatter [tilespmem:s10], [sflag:$0x8], $0x6000, $0x38;
	[tilespmem:$0x18330] =	vst v63  }
0x69: {  	_ =	swait.ge [sflag:s9], $0x6000  }
0x6a: {  	[sflag:s9] =	ssyncset.done $0x0  }
0x6b: {  	[sflag:s9] =	ssyncadd.s32 $0xFFFFA000  }
0x6c: {  	[tilespmem:s10], [sflag:$0x4] =	stream.indirect.gather [hbm4b:s3+s13], $0x200, s23, s13, $0xb8;
	[tilespmem:$0x18330] =	vst v63  }
0x6d: {  	_ =	swait.ge [sflag:s6], $0x6000  }
0x6e: {  	[sflag:s6] =	ssyncset.done $0x0  }
0x6f: {  	s1 =	rddreg [dreg:$0xd];
	[sflag:s6] =	ssyncadd.s32 $0xFFFFA000  }
0x70: {  	[hbm4b:s1+s2] =	stream.linear.scatter [tilespmem:s5], [sflag:$0x5], $0x6000, $0x38;
	[tilespmem:$0x18330] =	vst v63  }
0x71: {  	_ =	swait.ge [sflag:s4], $0x6000  }
0x72: {  	[sflag:s4] =	ssyncset.done $0x0  }
0x73: {  	[sflag:s4] =	ssyncadd.s32 $0xFFFFA000  }
0x74: {  	[tilespmem:s5], [sflag:$0x1] =	stream.indirect.gather [hbm4b:s3+s13], $0x200, s22, s13, $0xb8;
	[tilespmem:$0x18330] =	vst v63  }
0x75: {  	_ =	swait.ge [sflag:s16], $0x6000  }
0x76: {  	[sflag:s16] =	ssyncset.done $0x0  }
0x77: {  	s1 =	rddreg [dreg:$0xe];
	[sflag:s16] =	ssyncadd.s32 $0xFFFFA000  }
0x78: {  	[hbm4b:s1+s2] =	stream.linear.scatter [tilespmem:s12], [sflag:$0x6], $0x6000, $0x38;
	[tilespmem:$0x18330] =	vst v63  }
0x79: {  	_ =	swait.ge [sflag:s7], $0x6000  }
0x7a: {  	[sflag:s7] =	ssyncset.done $0x0  }
0x7b: {  	[sflag:s7] =	ssyncadd.s32 $0xFFFFA000  }
0x7c: {  	[tilespmem:s12], [sflag:$0x2] =	stream.indirect.gather [hbm4b:s3+s13], $0x200, s21, s13, $0xb8;
	[tilespmem:$0x18330] =	vst v63  }
0x7d: {  	_ =	swait.ge [sflag:s15], $0x6000  }
0x7e: {  	[sflag:s15] =	ssyncset.done $0x0  }
0x7f: {  	s1 =	rddreg [dreg:$0xf];
	[sflag:s15] =	ssyncadd.s32 $0xFFFFA000  }
0x80: {  	[hbm4b:s1+s2] =	stream.linear.scatter [tilespmem:s11], [sflag:$0x7], $0x6000, $0x38;
	[tilespmem:$0x18330] =	vst v63  }
0x81: {  	_ =	swait.ge [sflag:s8], $0x6000  }
0x82: {  	[sflag:s8] =	ssyncset.done $0x0  }
0x83: {  	[sflag:s8] =	ssyncadd.s32 $0xFFFFA000  }
0x84: {  	[tilespmem:s11], [sflag:$0x3] =	stream.indirect.gather [hbm4b:s3+s13], $0x200, s20, s13, $0xb8;
	[tilespmem:$0x18330] =	vst v63  }
0x85: {  	_ =	swait.ge [sflag:s14], $0x6000  }
0x86: {  	[sflag:s14] =	ssyncset.done $0x0  }
0x87: {  	s1 =	rddreg [dreg:$0x10];
	[sflag:s14] =	ssyncadd.s32 $0xFFFFA000  }
0x88: {  	[hbm4b:s1+s2] =	stream.linear.scatter [tilespmem:s10], [sflag:$0x8], $0x6000, $0x38;
	[tilespmem:$0x18330] =	vst v63  }
0x89: {  	_ =	swait.ge [sflag:s9], $0x6000  }
0x8a: {  	[sflag:s9] =	ssyncset.done $0x0  }
0x8b: {  	[sflag:s9] =	ssyncadd.s32 $0xFFFFA000  }
0x8c: {  	[tilespmem:s10], [sflag:$0x4] =	stream.indirect.gather [hbm4b:s3+s13], $0x200, s19, s13, $0xb8;
	[tilespmem:$0x18330] =	vst v63  }
0x8d: {  	_ =	swait.ge [sflag:s6], $0x6000  }
0x8e: {  	[sflag:s6] =	ssyncset.done $0x0  }
0x8f: {  	s1 =	rddreg [dreg:$0x11];
	[sflag:s6] =	ssyncadd.s32 $0xFFFFA000  }
0x90: {  	[hbm4b:s1+s2] =	stream.linear.scatter [tilespmem:s5], [sflag:$0x5], $0x6000, $0x38;
	[tilespmem:$0x18330] =	vst v63  }
0x91: {  	_ =	swait.ge [sflag:s4], $0x6000  }
0x92: {  	[sflag:s4] =	ssyncset.done $0x0  }
0x93: {  	[sflag:s4] =	ssyncadd.s32 $0xFFFFA000  }
0x94: {  	[tilespmem:s5], [sflag:$0x1] =	stream.indirect.gather [hbm4b:s3+s13], $0x200, s18, s13, $0xb8;
	[tilespmem:$0x18330] =	vst v63  }
0x95: {  	_ =	swait.ge [sflag:s16], $0x6000  }
0x96: {  	[sflag:s16] =	ssyncset.done $0x0  }
0x97: {  	s1 =	rddreg [dreg:$0x12];
	[sflag:s16] =	ssyncadd.s32 $0xFFFFA000  }
0x98: {  	[hbm4b:s1+s2] =	stream.linear.scatter [tilespmem:s12], [sflag:$0x6], $0x6000, $0x38;
	[tilespmem:$0x18330] =	vst v63  }
0x99: {  	_ =	swait.ge [sflag:s15], $0x6000  }
0x9a: {  	[sflag:s15] =	ssyncset.done $0x0  }
0x9b: {  	s1 =	rddreg [dreg:$0x13];
	[sflag:s15] =	ssyncadd.s32 $0xFFFFA000  }
0x9c: {  	[hbm4b:s1+s2] =	stream.linear.scatter [tilespmem:s11], [sflag:$0x7], $0x6000, $0x38;
	[tilespmem:$0x18330] =	vst v63  }
0x9d: {  	_ =	swait.ge [sflag:s14], $0x6000  }
0x9e: {  	[sflag:s14] =	ssyncset.done $0x0  }
0x9f: {  	s1 =	rddreg [dreg:$0x14];
	[sflag:s14] =	ssyncadd.s32 $0xFFFFA000  }
0xa0: {  	[hbm4b:s1+s2] =	stream.linear.scatter [tilespmem:s10], [sflag:$0x8], $0x6000, $0x38;
	[tilespmem:$0x18330] =	vst v63  }
0xa1: {  	_ =	swait.ge [sflag:s6], $0x6000  }
0xa2: {  	[sflag:s6] =	ssyncset.done $0x0  }
0xa3: {  	s1 =	rddreg [dreg:$0x15];
	[sflag:s6] =	ssyncadd.s32 $0xFFFFA000  }
0xa4: {  	[hbm4b:s1+s2] =	stream.linear.scatter [tilespmem:s5], [sflag:$0x5], $0x6000, $0x38;
	[tilespmem:$0x18330] =	vst v63  }
0xa5: {  	_ =	swait.ge [sflag:s7], $0x6000  }
0xa6: {  	[sflag:s7] =	ssyncset.done $0x0  }
0xa7: {  	[sflag:s7] =	ssyncadd.s32 $0xFFFFA000  }
0xa8: {  	_ =	swait.ge [sflag:s8], $0x6000  }
0xa9: {  	[sflag:s8] =	ssyncset.done $0x0  }
0xaa: {  	p1 =	sne.s32 s17, $0x1;
	[sflag:s8] =	ssyncadd.s32 $0xFFFFA000  }
.Ltmp1:
0xab: {  	_ =	swait.ge [sflag:s9], $0x6000;
	(pc) =	sbr.rel @!p1 .LBB2_3-.Ltmp1, $4  }
0xac: {  	[sflag:s9] =	ssyncset.done $0x0  }
0xad: {  	[sflag:s9] =	ssyncadd.s32 $0xFFFFA000  }
0xae: {  	p0 =	por $0x1, $0x1;
	_ =	swait.ge [sflag:s4], $0x6000  }
0xaf: {  	s1 =	sadd.s32 $0xFFFFFFFF, s17;
	s0 =	rddreg [dreg:$0x4];
	[sflag:s4] =	ssyncset.done $0x0  }
.LBB2_4:
0xb0: {  	[sflag:s4] =	ssyncadd.s32 $0xFFFFA000  }
0xb1: {  	[tilespmem:s2], [sflag:$0x9] =	stream.linear.gather [hbm4b:s0+s2], $0x330, $0x38;
	[tilespmem:$0x18330] =	vst v63  }
0xb2: {  	_ =	swait.ge [sflag:s31], $0x330  }
0xb3: {  	[sflag:s31] =	ssyncset.done $0x0  }
0xb4: {  	[sflag:s31] =	ssyncadd.s32 $0xFFFFFCD0  }
0xb5: {  	[tilespmem:s5], [sflag:$0x1] =	stream.indirect.gather [hbm4b:s3+s13], $0x200, s2, s13, $0xb8;
	[tilespmem:$0x18330] =	vst v63  }
0xb6: {  	_ = 	snop  }
0xb7: {  	[tilespmem:s12], [sflag:$0x2] =	stream.indirect.gather [hbm4b:s3+s13], $0x200, s13, s13, $0xb8;
	[tilespmem:$0x18330] =	vst v63  }
0xb8: {  	s0 =	rddreg [dreg:$0x16]  }
0xb9: {  	[tilespmem:s11], [sflag:$0x3] =	stream.indirect.gather [hbm4b:s3+s13], $0x200, s0, s13, $0xb8;
	[tilespmem:$0x18330] =	vst v63  }
0xba: {  	s17 =	rddreg [dreg:$0x17]  }
0xbb: {  	[tilespmem:s10], [sflag:$0x4] =	stream.indirect.gather [hbm4b:s3+s13], $0x200, s17, s13, $0xb8;
	[tilespmem:$0x18330] =	vst v63  }
0xbc: {  	_ =	swait.ge [sflag:s6], $0x6000  }
0xbd: {  	[sflag:s6] =	ssyncset.done $0x0  }
0xbe: {  	s17 =	rddreg [dreg:$0x5];
	[sflag:s6] =	ssyncadd.s32 $0xFFFFA000  }
0xbf: {  	[hbm4b:s17+s2] =	stream.linear.scatter [tilespmem:s5], [sflag:$0x5], $0x6000, $0x38;
	[tilespmem:$0x18330] =	vst v63  }
0xc0: {  	_ =	swait.ge [sflag:s4], $0x6000  }
0xc1: {  	[sflag:s4] =	ssyncset.done $0x0  }
0xc2: {  	s17 =	simm.s32 $0xC0;
	[sflag:s4] =	ssyncadd.s32 $0xFFFFA000  }
0xc3: {  	[tilespmem:s5], [sflag:$0x1] =	stream.indirect.gather [hbm4b:s3+s13], $0x200, s17, s13, $0xb8;
	[tilespmem:$0x18330] =	vst v63  }
0xc4: {  	_ =	swait.ge [sflag:s16], $0x6000  }
0xc5: {  	[sflag:s16] =	ssyncset.done $0x0  }
0xc6: {  	s17 =	rddreg [dreg:$0x6];
	[sflag:s16] =	ssyncadd.s32 $0xFFFFA000  }
0xc7: {  	[hbm4b:s17+s2] =	stream.linear.scatter [tilespmem:s12], [sflag:$0x6], $0x6000, $0x38;
	[tilespmem:$0x18330] =	vst v63  }
0xc8: {  	_ =	swait.ge [sflag:s7], $0x6000  }
0xc9: {  	[sflag:s7] =	ssyncset.done $0x0  }
0xca: {  	[sflag:s7] =	ssyncadd.s32 $0xFFFFA000  }
0xcb: {  	[tilespmem:s12], [sflag:$0x2] =	stream.indirect.gather [hbm4b:s3+s13], $0x200, s30, s13, $0xb8;
	[tilespmem:$0x18330] =	vst v63  }
0xcc: {  	_ =	swait.ge [sflag:s15], $0x6000  }
0xcd: {  	[sflag:s15] =	ssyncset.done $0x0  }
0xce: {  	s17 =	rddreg [dreg:$0x7];
	[sflag:s15] =	ssyncadd.s32 $0xFFFFA000  }
0xcf: {  	[hbm4b:s17+s2] =	stream.linear.scatter [tilespmem:s11], [sflag:$0x7], $0x6000, $0x38;
	[tilespmem:$0x18330] =	vst v63  }
0xd0: {  	_ =	swait.ge [sflag:s8], $0x6000  }
0xd1: {  	[sflag:s8] =	ssyncset.done $0x0  }
0xd2: {  	[sflag:s8] =	ssyncadd.s32 $0xFFFFA000  }
0xd3: {  	[tilespmem:s11], [sflag:$0x3] =	stream.indirect.gather [hbm4b:s3+s13], $0x200, s29, s13, $0xb8;
	[tilespmem:$0x18330] =	vst v63  }
0xd4: {  	_ =	swait.ge [sflag:s14], $0x6000  }
0xd5: {  	[sflag:s14] =	ssyncset.done $0x0  }
0xd6: {  	s17 =	rddreg [dreg:$0x8];
	[sflag:s14] =	ssyncadd.s32 $0xFFFFA000  }
0xd7: {  	[hbm4b:s17+s2] =	stream.linear.scatter [tilespmem:s10], [sflag:$0x8], $0x6000, $0x38;
	[tilespmem:$0x18330] =	vst v63  }
0xd8: {  	_ =	swait.ge [sflag:s9], $0x6000  }
0xd9: {  	[sflag:s9] =	ssyncset.done $0x0  }
0xda: {  	[sflag:s9] =	ssyncadd.s32 $0xFFFFA000  }
0xdb: {  	[tilespmem:s10], [sflag:$0x4] =	stream.indirect.gather [hbm4b:s3+s13], $0x200, s28, s13, $0xb8;
	[tilespmem:$0x18330] =	vst v63  }
0xdc: {  	_ =	swait.ge [sflag:s6], $0x6000  }
0xdd: {  	[sflag:s6] =	ssyncset.done $0x0  }
0xde: {  	s17 =	rddreg [dreg:$0x9];
	[sflag:s6] =	ssyncadd.s32 $0xFFFFA000  }
0xdf: {  	[hbm4b:s17+s2] =	stream.linear.scatter [tilespmem:s5], [sflag:$0x5], $0x6000, $0x38;
	[tilespmem:$0x18330] =	vst v63  }
0xe0: {  	_ =	swait.ge [sflag:s4], $0x6000  }
0xe1: {  	[sflag:s4] =	ssyncset.done $0x0  }
0xe2: {  	[sflag:s4] =	ssyncadd.s32 $0xFFFFA000  }
0xe3: {  	[tilespmem:s5], [sflag:$0x1] =	stream.indirect.gather [hbm4b:s3+s13], $0x200, s26, s13, $0xb8;
	[tilespmem:$0x18330] =	vst v63  }
0xe4: {  	_ =	swait.ge [sflag:s16], $0x6000  }
0xe5: {  	[sflag:s16] =	ssyncset.done $0x0  }
0xe6: {  	s17 =	rddreg [dreg:$0xa];
	[sflag:s16] =	ssyncadd.s32 $0xFFFFA000  }
0xe7: {  	[hbm4b:s17+s2] =	stream.linear.scatter [tilespmem:s12], [sflag:$0x6], $0x6000, $0x38;
	[tilespmem:$0x18330] =	vst v63  }
0xe8: {  	_ =	swait.ge [sflag:s7], $0x6000  }
0xe9: {  	[sflag:s7] =	ssyncset.done $0x0  }
0xea: {  	[sflag:s7] =	ssyncadd.s32 $0xFFFFA000  }
0xeb: {  	[tilespmem:s12], [sflag:$0x2] =	stream.indirect.gather [hbm4b:s3+s13], $0x200, s25, s13, $0xb8;
	[tilespmem:$0x18330] =	vst v63  }
0xec: {  	_ =	swait.ge [sflag:s15], $0x6000  }
0xed: {  	[sflag:s15] =	ssyncset.done $0x0  }
0xee: {  	s17 =	rddreg [dreg:$0xb];
	[sflag:s15] =	ssyncadd.s32 $0xFFFFA000  }
0xef: {  	[hbm4b:s17+s2] =	stream.linear.scatter [tilespmem:s11], [sflag:$0x7], $0x6000, $0x38;
	[tilespmem:$0x18330] =	vst v63  }
0xf0: {  	_ =	swait.ge [sflag:s8], $0x6000  }
0xf1: {  	[sflag:s8] =	ssyncset.done $0x0  }
0xf2: {  	[sflag:s8] =	ssyncadd.s32 $0xFFFFA000  }
0xf3: {  	[tilespmem:s11], [sflag:$0x3] =	stream.indirect.gather [hbm4b:s3+s13], $0x200, s24, s13, $0xb8;
	[tilespmem:$0x18330] =	vst v63  }
0xf4: {  	_ =	swait.ge [sflag:s14], $0x6000  }
0xf5: {  	[sflag:s14] =	ssyncset.done $0x0  }
0xf6: {  	s17 =	rddreg [dreg:$0xc];
	[sflag:s14] =	ssyncadd.s32 $0xFFFFA000  }
0xf7: {  	[hbm4b:s17+s2] =	stream.linear.scatter [tilespmem:s10], [sflag:$0x8], $0x6000, $0x38;
	[tilespmem:$0x18330] =	vst v63  }
0xf8: {  	_ =	swait.ge [sflag:s9], $0x6000  }
0xf9: {  	[sflag:s9] =	ssyncset.done $0x0  }
0xfa: {  	[sflag:s9] =	ssyncadd.s32 $0xFFFFA000  }
0xfb: {  	[tilespmem:s10], [sflag:$0x4] =	stream.indirect.gather [hbm4b:s3+s13], $0x200, s23, s13, $0xb8;
	[tilespmem:$0x18330] =	vst v63  }
0xfc: {  	_ =	swait.ge [sflag:s6], $0x6000  }
0xfd: {  	[sflag:s6] =	ssyncset.done $0x0  }
0xfe: {  	s17 =	rddreg [dreg:$0xd];
	[sflag:s6] =	ssyncadd.s32 $0xFFFFA000  }
0xff: {  	[hbm4b:s17+s2] =	stream.linear.scatter [tilespmem:s5], [sflag:$0x5], $0x6000, $0x38;
	[tilespmem:$0x18330] =	vst v63  }
0x100: {  	_ =	swait.ge [sflag:s4], $0x6000  }
0x101: {  	[sflag:s4] =	ssyncset.done $0x0  }
0x102: {  	[sflag:s4] =	ssyncadd.s32 $0xFFFFA000  }
0x103: {  	[tilespmem:s5], [sflag:$0x1] =	stream.indirect.gather [hbm4b:s3+s13], $0x200, s22, s13, $0xb8;
	[tilespmem:$0x18330] =	vst v63  }
0x104: {  	_ =	swait.ge [sflag:s16], $0x6000  }
0x105: {  	[sflag:s16] =	ssyncset.done $0x0  }
0x106: {  	s17 =	rddreg [dreg:$0xe];
	[sflag:s16] =	ssyncadd.s32 $0xFFFFA000  }
0x107: {  	[hbm4b:s17+s2] =	stream.linear.scatter [tilespmem:s12], [sflag:$0x6], $0x6000, $0x38;
	[tilespmem:$0x18330] =	vst v63  }
0x108: {  	_ =	swait.ge [sflag:s7], $0x6000  }
0x109: {  	[sflag:s7] =	ssyncset.done $0x0  }
0x10a: {  	[sflag:s7] =	ssyncadd.s32 $0xFFFFA000  }
0x10b: {  	[tilespmem:s12], [sflag:$0x2] =	stream.indirect.gather [hbm4b:s3+s13], $0x200, s21, s13, $0xb8;
	[tilespmem:$0x18330] =	vst v63  }
0x10c: {  	_ =	swait.ge [sflag:s15], $0x6000  }
0x10d: {  	[sflag:s15] =	ssyncset.done $0x0  }
0x10e: {  	s17 =	rddreg [dreg:$0xf];
	[sflag:s15] =	ssyncadd.s32 $0xFFFFA000  }
0x10f: {  	[hbm4b:s17+s2] =	stream.linear.scatter [tilespmem:s11], [sflag:$0x7], $0x6000, $0x38;
	[tilespmem:$0x18330] =	vst v63  }
0x110: {  	_ =	swait.ge [sflag:s8], $0x6000  }
0x111: {  	[sflag:s8] =	ssyncset.done $0x0  }
0x112: {  	[sflag:s8] =	ssyncadd.s32 $0xFFFFA000  }
0x113: {  	[tilespmem:s11], [sflag:$0x3] =	stream.indirect.gather [hbm4b:s3+s13], $0x200, s20, s13, $0xb8;
	[tilespmem:$0x18330] =	vst v63  }
0x114: {  	_ =	swait.ge [sflag:s14], $0x6000  }
0x115: {  	[sflag:s14] =	ssyncset.done $0x0  }
0x116: {  	s17 =	rddreg [dreg:$0x10];
	[sflag:s14] =	ssyncadd.s32 $0xFFFFA000  }
0x117: {  	[hbm4b:s17+s2] =	stream.linear.scatter [tilespmem:s10], [sflag:$0x8], $0x6000, $0x38;
	[tilespmem:$0x18330] =	vst v63  }
0x118: {  	_ =	swait.ge [sflag:s9], $0x6000  }
0x119: {  	[sflag:s9] =	ssyncset.done $0x0  }
0x11a: {  	[sflag:s9] =	ssyncadd.s32 $0xFFFFA000  }
0x11b: {  	[tilespmem:s10], [sflag:$0x4] =	stream.indirect.gather [hbm4b:s3+s13], $0x200, s19, s13, $0xb8;
	[tilespmem:$0x18330] =	vst v63  }
0x11c: {  	_ =	swait.ge [sflag:s6], $0x6000  }
0x11d: {  	[sflag:s6] =	ssyncset.done $0x0  }
0x11e: {  	s17 =	rddreg [dreg:$0x11];
	[sflag:s6] =	ssyncadd.s32 $0xFFFFA000  }
0x11f: {  	[hbm4b:s17+s2] =	stream.linear.scatter [tilespmem:s5], [sflag:$0x5], $0x6000, $0x38;
	[tilespmem:$0x18330] =	vst v63  }
0x120: {  	_ =	swait.ge [sflag:s4], $0x6000  }
0x121: {  	[sflag:s4] =	ssyncset.done $0x0  }
0x122: {  	[sflag:s4] =	ssyncadd.s32 $0xFFFFA000  }
0x123: {  	[tilespmem:s5], [sflag:$0x1] =	stream.indirect.gather [hbm4b:s3+s13], $0x200, s18, s13, $0xb8;
	[tilespmem:$0x18330] =	vst v63  }
0x124: {  	_ =	swait.ge [sflag:s16], $0x6000  }
0x125: {  	[sflag:s16] =	ssyncset.done $0x0  }
0x126: {  	s17 =	rddreg [dreg:$0x12];
	[sflag:s16] =	ssyncadd.s32 $0xFFFFA000  }
0x127: {  	[hbm4b:s17+s2] =	stream.linear.scatter [tilespmem:s12], [sflag:$0x6], $0x6000, $0x38;
	[tilespmem:$0x18330] =	vst v63  }
0x128: {  	_ =	swait.ge [sflag:s15], $0x6000  }
0x129: {  	[sflag:s15] =	ssyncset.done $0x0  }
0x12a: {  	s17 =	rddreg [dreg:$0x13];
	[sflag:s15] =	ssyncadd.s32 $0xFFFFA000  }
0x12b: {  	[hbm4b:s17+s2] =	stream.linear.scatter [tilespmem:s11], [sflag:$0x7], $0x6000, $0x38;
	[tilespmem:$0x18330] =	vst v63  }
0x12c: {  	_ =	swait.ge [sflag:s14], $0x6000  }
0x12d: {  	[sflag:s14] =	ssyncset.done $0x0  }
0x12e: {  	s17 =	rddreg [dreg:$0x14];
	[sflag:s14] =	ssyncadd.s32 $0xFFFFA000  }
0x12f: {  	[hbm4b:s17+s2] =	stream.linear.scatter [tilespmem:s10], [sflag:$0x8], $0x6000, $0x38;
	[tilespmem:$0x18330] =	vst v63  }
0x130: {  	_ =	swait.ge [sflag:s6], $0x6000  }
0x131: {  	[sflag:s6] =	ssyncset.done $0x0  }
0x132: {  	s17 =	rddreg [dreg:$0x15];
	[sflag:s6] =	ssyncadd.s32 $0xFFFFA000  }
0x133: {  	[hbm4b:s17+s2] =	stream.linear.scatter [tilespmem:s5], [sflag:$0x5], $0x6000, $0x38;
	[tilespmem:$0x18330] =	vst v63  }
0x134: {  	_ =	swait.ge [sflag:s7], $0x6000  }
0x135: {  	[sflag:s7] =	ssyncset.done $0x0  }
0x136: {  	[sflag:s7] =	ssyncadd.s32 $0xFFFFA000  }
0x137: {  	_ =	swait.ge [sflag:s8], $0x6000  }
0x138: {  	[sflag:s8] =	ssyncset.done $0x0  }
0x139: {  	p1 =	sne.s32 s1, $0x1;
	[sflag:s8] =	ssyncadd.s32 $0xFFFFA000  }
.Ltmp2:
0x13a: {  	_ =	swait.ge [sflag:s9], $0x6000;
	(pc) =	sbr.rel @p1 .LBB2_4-.Ltmp2, $4  }
0x13b: {  	[sflag:s9] =	ssyncset.done $0x0  }
0x13c: {  	[sflag:s9] =	ssyncadd.s32 $0xFFFFA000  }
0x13d: {  	_ =	swait.ge [sflag:s4], $0x6000  }
0x13e: {  	s1 =	sadd.s32 $0xFFFFFFFF, s1;
	s0 =	rddreg [dreg:$0x4];
	[sflag:s4] =	ssyncset.done $0x0  }
0x13f: {  	s18 =	simm.s32 $0xC0  }
0x140: {  	s30 =	simm.s32 $0xF0;
	s29 =	simm.s32 $0x120;
	s28 =	simm.s32 $0x150  }
0x141: {  	s26 =	simm.s32 $0x180;
	s25 =	simm.s32 $0x1B0;
	s24 =	simm.s32 $0x1E0  }
0x142: {  	s23 =	simm.s32 $0x210;
	s22 =	simm.s32 $0x240;
	s21 =	simm.s32 $0x270  }
0x143: {  	s20 =	simm.s32 $0x2A0;
	s19 =	simm.s32 $0x2D0;
	s17 =	stileid.u32  }
.LBB2_6:
0x144: {  	[sflag:s4] =	ssyncadd.s32 @p0 $0xFFFFA000  }
0x145: {  	[tilespmem:s2], [sflag:$0x9] =	stream.linear.gather [hbm4b:s0+s2], $0x330, $0x38;
	[tilespmem:$0x18330] =	vst v63  }
0x146: {  	_ =	swait.ge [sflag:s31], $0x330  }
0x147: {  	[sflag:s31] =	ssyncset.done $0x0  }
0x148: {  	[sflag:s31] =	ssyncadd.s32 $0xFFFFFCD0  }
0x149: {  	[tilespmem:s5], [sflag:$0x1] =	stream.indirect.gather [hbm4b:s3+s13], $0x200, s2, s13, $0xb8;
	[tilespmem:$0x18330] =	vst v63  }
0x14a: {  	_ = 	snop  }
0x14b: {  	[tilespmem:s12], [sflag:$0x2] =	stream.indirect.gather [hbm4b:s3+s13], $0x200, s13, s13, $0xb8;
	[tilespmem:$0x18330] =	vst v63  }
0x14c: {  	s31 =	rddreg [dreg:$0x16]  }
0x14d: {  	[tilespmem:s11], [sflag:$0x3] =	stream.indirect.gather [hbm4b:s3+s13], $0x200, s31, s13, $0xb8;
	[tilespmem:$0x18330] =	vst v63  }
0x14e: {  	s1 =	rddreg [dreg:$0x17]  }
0x14f: {  	[tilespmem:s10], [sflag:$0x4] =	stream.indirect.gather [hbm4b:s3+s13], $0x200, s1, s13, $0xb8;
	[tilespmem:$0x18330] =	vst v63  }
0x150: {  	_ =	swait.ge [sflag:s6], $0x6000  }
0x151: {  	[sflag:s6] =	ssyncset.done $0x0  }
0x152: {  	s1 =	rddreg [dreg:$0x5];
	[sflag:s6] =	ssyncadd.s32 $0xFFFFA000  }
0x153: {  	[hbm4b:s1+s2] =	stream.linear.scatter [tilespmem:s5], [sflag:$0x5], $0x6000, $0x38;
	[tilespmem:$0x18330] =	vst v63  }
0x154: {  	_ =	swait.ge [sflag:s4], $0x6000  }
0x155: {  	[sflag:s4] =	ssyncset.done $0x0  }
0x156: {  	[sflag:s4] =	ssyncadd.s32 $0xFFFFA000  }
0x157: {  	[tilespmem:s5], [sflag:$0x1] =	stream.indirect.gather [hbm4b:s3+s13], $0x200, s18, s13, $0xb8;
	[tilespmem:$0x18330] =	vst v63  }
0x158: {  	_ =	swait.ge [sflag:s16], $0x6000  }
0x159: {  	[sflag:s16] =	ssyncset.done $0x0  }
0x15a: {  	s31 =	rddreg [dreg:$0x6];
	[sflag:s16] =	ssyncadd.s32 $0xFFFFA000  }
0x15b: {  	[hbm4b:s31+s2] =	stream.linear.scatter [tilespmem:s12], [sflag:$0x6], $0x6000, $0x38;
	[tilespmem:$0x18330] =	vst v63  }
0x15c: {  	_ =	swait.ge [sflag:s7], $0x6000  }
0x15d: {  	[sflag:s7] =	ssyncset.done $0x0  }
0x15e: {  	[sflag:s7] =	ssyncadd.s32 $0xFFFFA000  }
0x15f: {  	[tilespmem:s12], [sflag:$0x2] =	stream.indirect.gather [hbm4b:s3+s13], $0x200, s30, s13, $0xb8;
	[tilespmem:$0x18330] =	vst v63  }
0x160: {  	_ =	swait.ge [sflag:s15], $0x6000  }
0x161: {  	[sflag:s15] =	ssyncset.done $0x0  }
0x162: {  	s1 =	rddreg [dreg:$0x7];
	[sflag:s15] =	ssyncadd.s32 $0xFFFFA000  }
0x163: {  	[hbm4b:s1+s2] =	stream.linear.scatter [tilespmem:s11], [sflag:$0x7], $0x6000, $0x38;
	[tilespmem:$0x18330] =	vst v63  }
0x164: {  	_ =	swait.ge [sflag:s8], $0x6000  }
0x165: {  	[sflag:s8] =	ssyncset.done $0x0  }
0x166: {  	[sflag:s8] =	ssyncadd.s32 $0xFFFFA000  }
0x167: {  	[tilespmem:s11], [sflag:$0x3] =	stream.indirect.gather [hbm4b:s3+s13], $0x200, s29, s13, $0xb8;
	[tilespmem:$0x18330] =	vst v63  }
0x168: {  	_ =	swait.ge [sflag:s14], $0x6000  }
0x169: {  	[sflag:s14] =	ssyncset.done $0x0  }
0x16a: {  	s18 =	rddreg [dreg:$0x8];
	[sflag:s14] =	ssyncadd.s32 $0xFFFFA000  }
0x16b: {  	[hbm4b:s18+s2] =	stream.linear.scatter [tilespmem:s10], [sflag:$0x8], $0x6000, $0x38;
	[tilespmem:$0x18330] =	vst v63  }
0x16c: {  	_ =	swait.ge [sflag:s9], $0x6000  }
0x16d: {  	[sflag:s9] =	ssyncset.done $0x0  }
0x16e: {  	[sflag:s9] =	ssyncadd.s32 $0xFFFFA000  }
0x16f: {  	[tilespmem:s10], [sflag:$0x4] =	stream.indirect.gather [hbm4b:s3+s13], $0x200, s28, s13, $0xb8;
	[tilespmem:$0x18330] =	vst v63  }
0x170: {  	_ =	swait.ge [sflag:s6], $0x6000  }
0x171: {  	[sflag:s6] =	ssyncset.done $0x0  }
0x172: {  	s29 =	rddreg [dreg:$0x9];
	[sflag:s6] =	ssyncadd.s32 $0xFFFFA000  }
0x173: {  	[hbm4b:s29+s2] =	stream.linear.scatter [tilespmem:s5], [sflag:$0x5], $0x6000, $0x38;
	[tilespmem:$0x18330] =	vst v63  }
0x174: {  	_ =	swait.ge [sflag:s4], $0x6000  }
0x175: {  	[sflag:s4] =	ssyncset.done $0x0  }
0x176: {  	[sflag:s4] =	ssyncadd.s32 $0xFFFFA000  }
0x177: {  	[tilespmem:s5], [sflag:$0x1] =	stream.indirect.gather [hbm4b:s3+s13], $0x200, s26, s13, $0xb8;
	[tilespmem:$0x18330] =	vst v63  }
0x178: {  	_ =	swait.ge [sflag:s16], $0x6000  }
0x179: {  	[sflag:s16] =	ssyncset.done $0x0  }
0x17a: {  	s30 =	rddreg [dreg:$0xa];
	[sflag:s16] =	ssyncadd.s32 $0xFFFFA000  }
0x17b: {  	[hbm4b:s30+s2] =	stream.linear.scatter [tilespmem:s12], [sflag:$0x6], $0x6000, $0x38;
	[tilespmem:$0x18330] =	vst v63  }
0x17c: {  	_ =	swait.ge [sflag:s7], $0x6000  }
0x17d: {  	[sflag:s7] =	ssyncset.done $0x0  }
0x17e: {  	[sflag:s7] =	ssyncadd.s32 $0xFFFFA000  }
0x17f: {  	[tilespmem:s12], [sflag:$0x2] =	stream.indirect.gather [hbm4b:s3+s13], $0x200, s25, s13, $0xb8;
	[tilespmem:$0x18330] =	vst v63  }
0x180: {  	_ =	swait.ge [sflag:s15], $0x6000  }
0x181: {  	[sflag:s15] =	ssyncset.done $0x0  }
0x182: {  	s31 =	rddreg [dreg:$0xb];
	[sflag:s15] =	ssyncadd.s32 $0xFFFFA000  }
0x183: {  	[hbm4b:s31+s2] =	stream.linear.scatter [tilespmem:s11], [sflag:$0x7], $0x6000, $0x38;
	[tilespmem:$0x18330] =	vst v63  }
0x184: {  	_ =	swait.ge [sflag:s8], $0x6000  }
0x185: {  	[sflag:s8] =	ssyncset.done $0x0  }
0x186: {  	[sflag:s8] =	ssyncadd.s32 $0xFFFFA000  }
0x187: {  	[tilespmem:s11], [sflag:$0x3] =	stream.indirect.gather [hbm4b:s3+s13], $0x200, s24, s13, $0xb8;
	[tilespmem:$0x18330] =	vst v63  }
0x188: {  	_ =	swait.ge [sflag:s14], $0x6000  }
0x189: {  	[sflag:s14] =	ssyncset.done $0x0  }
0x18a: {  	s1 =	rddreg [dreg:$0xc];
	[sflag:s14] =	ssyncadd.s32 $0xFFFFA000  }
0x18b: {  	[hbm4b:s1+s2] =	stream.linear.scatter [tilespmem:s10], [sflag:$0x8], $0x6000, $0x38;
	[tilespmem:$0x18330] =	vst v63  }
0x18c: {  	_ =	swait.ge [sflag:s9], $0x6000  }
0x18d: {  	[sflag:s9] =	ssyncset.done $0x0  }
0x18e: {  	[sflag:s9] =	ssyncadd.s32 $0xFFFFA000  }
0x18f: {  	[tilespmem:s10], [sflag:$0x4] =	stream.indirect.gather [hbm4b:s3+s13], $0x200, s23, s13, $0xb8;
	[tilespmem:$0x18330] =	vst v63  }
0x190: {  	_ =	swait.ge [sflag:s6], $0x6000  }
0x191: {  	[sflag:s6] =	ssyncset.done $0x0  }
0x192: {  	s18 =	rddreg [dreg:$0xd];
	[sflag:s6] =	ssyncadd.s32 $0xFFFFA000  }
0x193: {  	[hbm4b:s18+s2] =	stream.linear.scatter [tilespmem:s5], [sflag:$0x5], $0x6000, $0x38;
	[tilespmem:$0x18330] =	vst v63  }
0x194: {  	_ =	swait.ge [sflag:s4], $0x6000  }
0x195: {  	[sflag:s4] =	ssyncset.done $0x0  }
0x196: {  	[sflag:s4] =	ssyncadd.s32 $0xFFFFA000  }
0x197: {  	[tilespmem:s5], [sflag:$0x1] =	stream.indirect.gather [hbm4b:s3+s13], $0x200, s22, s13, $0xb8;
	[tilespmem:$0x18330] =	vst v63  }
0x198: {  	_ =	swait.ge [sflag:s16], $0x6000  }
0x199: {  	[sflag:s16] =	ssyncset.done $0x0  }
0x19a: {  	s22 =	rddreg [dreg:$0xe];
	[sflag:s16] =	ssyncadd.s32 $0xFFFFA000  }
0x19b: {  	[hbm4b:s22+s2] =	stream.linear.scatter [tilespmem:s12], [sflag:$0x6], $0x6000, $0x38;
	[tilespmem:$0x18330] =	vst v63  }
0x19c: {  	_ =	swait.ge [sflag:s7], $0x6000  }
0x19d: {  	[sflag:s7] =	ssyncset.done $0x0  }
0x19e: {  	[sflag:s7] =	ssyncadd.s32 $0xFFFFA000  }
0x19f: {  	[tilespmem:s12], [sflag:$0x2] =	stream.indirect.gather [hbm4b:s3+s13], $0x200, s21, s13, $0xb8;
	[tilespmem:$0x18330] =	vst v63  }
0x1a0: {  	_ =	swait.ge [sflag:s15], $0x6000  }
0x1a1: {  	[sflag:s15] =	ssyncset.done $0x0  }
0x1a2: {  	s23 =	rddreg [dreg:$0xf];
	[sflag:s15] =	ssyncadd.s32 $0xFFFFA000  }
0x1a3: {  	[hbm4b:s23+s2] =	stream.linear.scatter [tilespmem:s11], [sflag:$0x7], $0x6000, $0x38;
	[tilespmem:$0x18330] =	vst v63  }
0x1a4: {  	_ =	swait.ge [sflag:s8], $0x6000  }
0x1a5: {  	[sflag:s8] =	ssyncset.done $0x0  }
0x1a6: {  	[sflag:s8] =	ssyncadd.s32 $0xFFFFA000  }
0x1a7: {  	[tilespmem:s11], [sflag:$0x3] =	stream.indirect.gather [hbm4b:s3+s13], $0x200, s20, s13, $0xb8;
	[tilespmem:$0x18330] =	vst v63  }
0x1a8: {  	_ =	swait.ge [sflag:s14], $0x6000  }
0x1a9: {  	[sflag:s14] =	ssyncset.done $0x0  }
0x1aa: {  	s24 =	rddreg [dreg:$0x10];
	[sflag:s14] =	ssyncadd.s32 $0xFFFFA000  }
0x1ab: {  	[hbm4b:s24+s2] =	stream.linear.scatter [tilespmem:s10], [sflag:$0x8], $0x6000, $0x38;
	[tilespmem:$0x18330] =	vst v63  }
0x1ac: {  	_ =	swait.ge [sflag:s9], $0x6000  }
0x1ad: {  	[sflag:s9] =	ssyncset.done $0x0  }
0x1ae: {  	[sflag:s9] =	ssyncadd.s32 $0xFFFFA000  }
0x1af: {  	[tilespmem:s10], [sflag:$0x4] =	stream.indirect.gather [hbm4b:s3+s13], $0x200, s19, s13, $0xb8;
	[tilespmem:$0x18330] =	vst v63  }
0x1b0: {  	_ =	swait.ge [sflag:s6], $0x6000  }
0x1b1: {  	[sflag:s6] =	ssyncset.done $0x0  }
0x1b2: {  	s25 =	rddreg [dreg:$0x11];
	[sflag:s6] =	ssyncadd.s32 $0xFFFFA000  }
0x1b3: {  	[hbm4b:s25+s2] =	stream.linear.scatter [tilespmem:s5], [sflag:$0x5], $0x6000, $0x38;
	[tilespmem:$0x18330] =	vst v63  }
0x1b4: {  	_ =	swait.ge [sflag:s4], $0x6000  }
0x1b5: {  	[sflag:s4] =	ssyncset.done $0x0  }
0x1b6: {  	s26 =	simm.s32 $0x300;
	[sflag:s4] =	ssyncadd.s32 $0xFFFFA000  }
0x1b7: {  	[tilespmem:s5], [sflag:$0x1] =	stream.indirect.gather [hbm4b:s3+s13], $0x200, s26, s13, $0xb8;
	[tilespmem:$0x18330] =	vst v63  }
0x1b8: {  	_ =	swait.ge [sflag:s16], $0x6000  }
0x1b9: {  	[sflag:s16] =	ssyncset.done $0x0  }
0x1ba: {  	s28 =	rddreg [dreg:$0x12];
	[sflag:s16] =	ssyncadd.s32 $0xFFFFA000  }
0x1bb: {  	[hbm4b:s28+s2] =	stream.linear.scatter [tilespmem:s12], [sflag:$0x6], $0x6000, $0x38;
	[tilespmem:$0x18330] =	vst v63  }
0x1bc: {  	_ =	swait.ge [sflag:s15], $0x6000  }
0x1bd: {  	[sflag:s15] =	ssyncset.done $0x0  }
0x1be: {  	s29 =	rddreg [dreg:$0x13];
	[sflag:s15] =	ssyncadd.s32 $0xFFFFA000  }
0x1bf: {  	[hbm4b:s29+s2] =	stream.linear.scatter [tilespmem:s11], [sflag:$0x7], $0x6000, $0x38;
	[tilespmem:$0x18330] =	vst v63  }
0x1c0: {  	_ =	swait.ge [sflag:s14], $0x6000  }
0x1c1: {  	[sflag:s14] =	ssyncset.done $0x0  }
0x1c2: {  	s30 =	rddreg [dreg:$0x14];
	[sflag:s14] =	ssyncadd.s32 $0xFFFFA000  }
0x1c3: {  	[hbm4b:s30+s2] =	stream.linear.scatter [tilespmem:s10], [sflag:$0x8], $0x6000, $0x38;
	[tilespmem:$0x18330] =	vst v63  }
0x1c4: {  	_ =	swait.ge [sflag:s6], $0x6000  }
0x1c5: {  	[sflag:s6] =	ssyncset.done $0x0  }
0x1c6: {  	s31 =	rddreg [dreg:$0x15];
	[sflag:s6] =	ssyncadd.s32 $0xFFFFA000  }
0x1c7: {  	[hbm4b:s31+s2] =	stream.linear.scatter [tilespmem:s5], [sflag:$0x5], $0x6000, $0x38;
	[tilespmem:$0x18330] =	vst v63  }
0x1c8: {  	_ =	swait.ge [sflag:s7], $0x6000  }
0x1c9: {  	[sflag:s7] =	ssyncset.done $0x0  }
0x1ca: {  	[sflag:s7] =	ssyncadd.s32 $0xFFFFA000  }
0x1cb: {  	_ =	swait.ge [sflag:s8], $0x6000  }
0x1cc: {  	[sflag:s8] =	ssyncset.done $0x0  }
0x1cd: {  	[sflag:s8] =	ssyncadd.s32 $0xFFFFA000  }
0x1ce: {  	_ =	swait.ge [sflag:s9], $0x6000  }
0x1cf: {  	[sflag:s9] =	ssyncset.done $0x0  }
0x1d0: {  	[sflag:s9] =	ssyncadd.s32 $0xFFFFA000  }
0x1d1: {  	_ =	swait.ge [sflag:s4], $0x6000  }
0x1d2: {  	[sflag:s4] =	ssyncset.done $0x0  }
0x1d3: {  	[sflag:s4] =	ssyncadd.s32 $0xFFFFA000  }
0x1d4: {  	_ =	sfence.sel $0x180000  }
0x1d5: {  	[bflag:$0x0] =	sbarrier.arrive $0xFFFF  }
0x1d6: {  	_ =	strace $0x90000047  }
0x1d7: {  	[bflag:$0x2] =	sbarrier.arrive $0xFFFF  }
0x1d8: {  	p0 =	sne.s32 s17, $0x0;
	s0 =	rddreg [dreg:$0x3]  }
0x1d9: {  	s0 =	sadd.s32 @!p0 $0x100000, s0  }
0x1da: {  	[sflag:s0] =	ssyncadd.tile.s32 @!p0 $0x1;
	_ =	shalt  }
.LBB2_1:
.Ltmp3:
0x1db: {  	(pc) =	sbr.rel .LBB2_6-.Ltmp3, $4  }
0x1dc: {  	s18 =	simm.s32 $0xC0;
	s30 =	simm.s32 $0xF0;
	s29 =	simm.s32 $0x120  }
0x1dd: {  	s28 =	simm.s32 $0x150;
	s26 =	simm.s32 $0x180;
	s25 =	simm.s32 $0x1B0  }
0x1de: {  	s24 =	simm.s32 $0x1E0;
	s23 =	simm.s32 $0x210;
	s22 =	simm.s32 $0x240  }
0x1df: {  	s21 =	simm.s32 $0x270;
	s20 =	simm.s32 $0x2A0;
	s19 =	simm.s32 $0x2D0  }
.LBB2_3:
.Ltmp4:
0x1e0: {  	s18 =	simm.s32 $0xC0;
	(pc) =	sbr.rel .LBB2_6-.Ltmp4, $4  }
0x1e1: {  	s30 =	simm.s32 $0xF0;
	s29 =	simm.s32 $0x120;
	s28 =	simm.s32 $0x150  }
0x1e2: {  	s26 =	simm.s32 $0x180;
	s25 =	simm.s32 $0x1B0;
	s24 =	simm.s32 $0x1E0  }
0x1e3: {  	s23 =	simm.s32 $0x210;
	s22 =	simm.s32 $0x240;
	s21 =	simm.s32 $0x270  }
0x1e4: {  	s20 =	simm.s32 $0x2A0;
	s19 =	simm.s32 $0x2D0;
	s17 =	stileid.u32  }
.Lfunc_end2:
_tile_overlayer_lowered:
.L_overlay_start_2:
0x1e5: {  	(tag) =	ssettag $0x2  }
0x1e6: {  	s0 =	rddreg [dreg:$0x0];
	s2 =	stileid.u32  }
0x1e7: {  	s1 =	rddreg [dreg:$0x1];
	p0 =	sne.s32 s2, $0x0  }
0x1e8: {  	s3 =	rddreg [dreg:$0x2];
	[bflag:$0x3] =	sbarrier.arrive $0xFFFF;
	s2 =	simm.s32 @!p0 $0x1C09  }
0x1e9: {  	[timem:s3], [sflag:s2] =	dma.local @!p0 [hbm:s0], s1  }
0x1ea: {  	s0 =	simm.s32 @!p0 $0x9  }
0x1eb: {  	_ =	swait.ge @!p0 [sflag:s0], s1  }
0x1ec: {  	s1 =	ssub.s32 @!p0 $0x0, s1;
	[sflag:s0] =	ssyncset.done @!p0 $0x0  }
0x1ed: {  	[sflag:s0] =	ssyncadd.s32 @!p0 s1  }
0x1ee: {  	[bflag:$0x3] =	sbarrier.arrive $0xFFFF  }
0x1ef: {  	_ =	shalt  }

</sc_bundles>
